<compile_context>
chip_gen: v7x
topology: tpu7x:2x2x1
jax: 0.10.2.dev20260603
libtpu: 0.0.44.dev20260713+nightly
codegen_flags: <defaults>
</compile_context>

<pallas_src>
import jax
import jax.numpy as jnp
from jax import lax
from jax.experimental import pallas as pl
from jax.experimental.pallas import tpu as pltpu
from jax.experimental.pallas import tpu_sc as plsc

N = 10000
D = 128
H = 32
C = 40
E = 320000

NP = 10240
NC = 2
NS = 16
NW = NC * NS
B = 128
NBT = 160
NB0 = 88
NB1 = NBT - NB0
NBMAX = max(NB0, NB1)
TB = NS * NBT
EP = TB * B
ROWS = NP // NS


def _tile_span(c, s):
    nb = lax.select(c == 0, NB0, NB1)
    start = lax.select(c == 0, s * NB0, NS * NB0 + s * NB1)
    return start, nb


def _sc_deg_body(dst_hbm, ones_hbm, zeros_hbm, out_hbm, dst_v, ones_v, deg_sh,
                 dsem):
    c = lax.axis_index("c")
    s = lax.axis_index("s")
    start, nb = _tile_span(c, s)
    pltpu.sync_copy(zeros_hbm.at[pl.ds(s * ROWS, ROWS)],
                    deg_sh.at[pl.ds(s * ROWS, ROWS)])
    pltpu.sync_copy(dst_hbm.at[pl.ds(start, NBMAX)], dst_v)
    pltpu.sync_copy(ones_hbm, ones_v)
    plsc.subcore_barrier()

    def fire(j, carry):
        pltpu.async_copy(ones_v.at[j], deg_sh.at[dst_v.at[j]], dsem, add=True)
        return carry

    lax.fori_loop(0, nb, fire, 0)

    def drain(j, carry):
        pltpu.make_async_copy(ones_v.at[j], deg_sh.at[dst_v.at[j]],
                              dsem).wait()
        return carry

    lax.fori_loop(0, nb, drain, 0)
    plsc.subcore_barrier()
    pltpu.sync_copy(deg_sh.at[pl.ds(s * ROWS, ROWS)],
                    out_hbm.at[c, pl.ds(s * ROWS, ROWS)])


def _sc_msg_body(g_hbm, src_hbm, dst_hbm, zeros_hbm, out_hbm, src_v, dst_v,
                 b0, b1, b2, b3, acc_sh, g_sh,
                 g0, g1, g2, g3, s0, s1, s2, s3):
    c = lax.axis_index("c")
    s = lax.axis_index("s")
    start, nb = _tile_span(c, s)
    bufs = (b0, b1, b2, b3)
    gsems = (g0, g1, g2, g3)
    ssems = (s0, s1, s2, s3)
    pltpu.sync_copy(zeros_hbm.at[pl.ds(s * ROWS, ROWS)],
                    acc_sh.at[pl.ds(s * ROWS, ROWS)])
    pltpu.sync_copy(g_hbm.at[pl.ds(s * ROWS, ROWS)],
                    g_sh.at[pl.ds(s * ROWS, ROWS)])
    pltpu.sync_copy(src_hbm.at[pl.ds(start, NBMAX)], src_v)
    pltpu.sync_copy(dst_hbm.at[pl.ds(start, NBMAX)], dst_v)
    plsc.subcore_barrier()

    def gather(j, i):
        pltpu.async_copy(g_sh.at[src_v.at[j]], bufs[i], gsems[i])

    def gather_wait(j, i):
        pltpu.make_async_copy(g_sh.at[src_v.at[j]], bufs[i],
                              gsems[i]).wait()

    def scatter(j, i):
        pltpu.async_copy(bufs[i], acc_sh.at[dst_v.at[j]], ssems[i], add=True)

    def scatter_wait(j, i):
        pltpu.make_async_copy(
            bufs[i], acc_sh.at[dst_v.at[j]], ssems[i]).wait()

    gather(0, 0)
    gather(1, 1)

    def body(k, carry):
        for i in range(4):
            j = 4 * k + i
            gather_wait(j, i)
            scatter(j, i)
            nxt = (i + 2) % 4

            @pl.when(j >= 2)
            def _():
                scatter_wait(j - 2, nxt)

            gather(lax.rem(j + 2, nb), nxt)
        return carry

    lax.fori_loop(0, nb // 4, body, 0)
    gather_wait(0, 0)
    gather_wait(1, 1)
    scatter_wait(nb - 2, 2)
    scatter_wait(nb - 1, 3)
    plsc.subcore_barrier()
    pltpu.sync_copy(acc_sh.at[pl.ds(s * ROWS, ROWS)],
                    out_hbm.at[c, pl.ds(s * ROWS, ROWS)])


def _tc_h_body(feat_ref, w1_ref, h_ref):
    hh = jnp.dot(feat_ref[...], w1_ref[...], preferred_element_type=jnp.float32)
    h_ref[...] = jnp.concatenate(
        [hh, jnp.zeros((NP - N, H), jnp.float32)], axis=0)


def _tc_g_body(h_ref, degp_ref, g_ref, dinv_ref):
    deg = degp_ref[0, :] + degp_ref[1, :] + 1.0
    dinv = lax.rsqrt(deg).reshape(NP, 1)
    g_ref[...] = h_ref[...] * dinv
    dinv_ref[...] = dinv


def _tc_head_body(g_ref, p_ref, dinv_ref, b1_ref, w2_ref, b2_ref, out_ref):
    t = (p_ref[0] + p_ref[1] + g_ref[...]) * dinv_ref[...]
    t = jnp.maximum(t + b1_ref[...], 0.0)
    z = jnp.dot(t, w2_ref[...], preferred_element_type=jnp.float32) + b2_ref[...]
    m = jnp.max(z, axis=1, keepdims=True)
    lse = jnp.log(jnp.sum(jnp.exp(z - m), axis=1, keepdims=True)) + m
    out_ref[...] = (z - lse)[:N]


_sc_mesh = plsc.VectorSubcoreMesh(core_axis_name="c", subcore_axis_name="s")
_sc_params = pltpu.CompilerParams(use_tc_tiling_on_sc=False)

_deg_call = pl.kernel(
    _sc_deg_body,
    out_type=jax.ShapeDtypeStruct((NC, NP), jnp.float32),
    mesh=_sc_mesh,
    compiler_params=_sc_params,
    scratch_types=[
        pltpu.VMEM((NBMAX, B), jnp.int32),
        pltpu.VMEM((NBMAX, B), jnp.float32),
        pltpu.VMEM_SHARED((NP,), jnp.float32),
        pltpu.SemaphoreType.DMA,
    ],
)

_msg_call = pl.kernel(
    _sc_msg_body,
    out_type=jax.ShapeDtypeStruct((NC, NP, H), jnp.float32),
    mesh=_sc_mesh,
    compiler_params=_sc_params,
    scratch_types=(
        [pltpu.VMEM((NBMAX, B), jnp.int32)] * 2
        + [pltpu.VMEM((B, H), jnp.float32)] * 4
        + [pltpu.VMEM_SHARED((NP, H), jnp.float32)] * 2
        + [pltpu.SemaphoreType.DMA] * 8
    ),
)

_tc_h_call = pl.pallas_call(
    _tc_h_body,
    out_shape=jax.ShapeDtypeStruct((NP, H), jnp.float32),
)

_tc_g_call = pl.pallas_call(
    _tc_g_body,
    out_shape=[
        jax.ShapeDtypeStruct((NP, H), jnp.float32),
        jax.ShapeDtypeStruct((NP, 1), jnp.float32),
    ],
)

_tc_head_call = pl.pallas_call(
    _tc_head_body,
    out_shape=jax.ShapeDtypeStruct((N, C), jnp.float32),
)


def kernel(feature, edge_index, W1, b1, W2, b2):
    ei = edge_index.astype(jnp.int32)
    pad = jnp.full((EP - E,), N, dtype=jnp.int32)
    src = jnp.concatenate([ei[0], pad]).reshape(TB, B)
    dst = jnp.concatenate([ei[1], pad]).reshape(TB, B)

    ones_b = jnp.ones((NBMAX, B), jnp.float32)
    zeros_n = jnp.zeros((NP,), jnp.float32)
    zeros_nh = jnp.zeros((NP, H), jnp.float32)

    degp = _deg_call(dst, ones_b, zeros_n)
    h = _tc_h_call(feature, W1)

    g, dinv = _tc_g_call(h, degp)

    partials = _msg_call(g, src, dst, zeros_nh)

    return _tc_head_call(g, partials, dinv, b1, W2, b2)

# --- scband reference (transcript-rebuilt; emitter-appended) ---
"""Pipeline reference for scband-gcnmodel-42374147342661 (READ-ONLY COPY).

The authoritative reference and input builder live on the scoring server;
editing this copy changes nothing except your own understanding.
"""

import jax, jax.numpy as jnp
import numpy as np

N_NODES = 10000
D_FEAT = 128
HIDDEN = 32
CLASSES = 40
N_EDGES = 320000

def setup_inputs(seed: int = 0) -> dict:
    key = jax.random.key(seed)
    k1, k2, k3, k4, k5, k6 = jax.random.split(key, 6)
    feature = jax.random.normal(k1, (N_NODES, D_FEAT), dtype=jnp.float32)
    edge_index = jax.random.randint(k2, (2, N_EDGES), 0, N_NODES, dtype=jnp.int64)
    # GCNConv weight (glorot) and bias
    W1 = jax.random.normal(k3, (D_FEAT, HIDDEN), dtype=jnp.float32) * (1.0 / np.sqrt(D_FEAT))
    b1 = jnp.zeros((HIDDEN,), dtype=jnp.float32)
    # final linear layer
    W2 = jax.random.normal(k4, (HIDDEN, CLASSES), dtype=jnp.float32) * (1.0 / np.sqrt(HIDDEN))
    b2 = jax.random.uniform(k5, (CLASSES,), dtype=jnp.float32, minval=-1.0/np.sqrt(HIDDEN), maxval=1.0/np.sqrt(HIDDEN))
    return {"feature": feature, "edge_index": edge_index, "W1": W1, "b1": b1, "W2": W2, "b2": b2}

def gcn_conv(x, edge_index, W, b):
    N = x.shape[0]
    # add self loops (PyG GCNConv default add_self_loops=True)
    loop = jnp.arange(N, dtype=edge_index.dtype)
    src = jnp.concatenate([edge_index[0], loop])
    dst = jnp.concatenate([edge_index[1], loop])
    # symmetric normalization: deg computed on dst with unit edge weights
    ones = jnp.ones(src.shape[0], dtype=x.dtype)
    deg = jnp.zeros((N,), dtype=x.dtype).at[dst].add(ones)
    deg_inv_sqrt = jnp.where(deg > 0, jax.lax.rsqrt(jnp.maximum(deg, 1e-12)), 0.0)
    norm = deg_inv_sqrt[src] * deg_inv_sqrt[dst]
    # linear transform then propagate
    h = x @ W
    msg = h[src] * norm[:, None]
    out = jnp.zeros((N, W.shape[1]), dtype=x.dtype).at[dst].add(msg)
    return out + b

def reference(feature, edge_index, W1, b1, W2, b2):
    h = gcn_conv(feature, edge_index, W1, b1)
    h = jax.nn.relu(h)
    # dropout is identity in eval mode
    logits = h @ W2 + b2
    return jax.nn.log_softmax(logits, axis=1)

if __name__ == "__main__":
    import jax
    _d = setup_inputs()
    print(jax.jit(kernel)(*tuple(_d.values())))

</pallas_src>

<mosaic_0001>
#map = affine_map<(d0, d1) -> (0, 0)>
#map1 = affine_map<(d0, d1) -> (0)>
module attributes {stable_mosaic.version = 14 : i64} {
  func.func @_sc_deg_body(%arg0: i32, %arg1: i32, %arg2: memref<2560x128xi32, #tpu.memory_space<hbm>>, %arg3: memref<88x128xf32, #tpu.memory_space<hbm>>, %arg4: memref<10240xf32, #tpu.memory_space<hbm>>, %arg5: memref<2x10240xf32, #tpu.memory_space<hbm>>, %arg6: memref<88x128xi32, #tpu.memory_space<vmem>>, %arg7: memref<88x128xf32, #tpu.memory_space<vmem>>, %arg8: memref<10240xf32, #tpu.memory_space<vmem_shared>>, %arg9: memref<!tpu.dma_semaphore, #tpu.memory_space<semaphore_mem>>) attributes {dimension_semantics = [#tpu.dimension_semantics<core_parallel>, #tpu.dimension_semantics<subcore_parallel>], iteration_bounds = array<i64: 2, 16>, scalar_prefetch = 0 : i64, scratch_operands = 4 : i64, tpu.core_type = #tpu.core_type<sc_vector_subcore>, window_params = [{transform_indices = #map}, {transform_indices = #map}, {transform_indices = #map1}, {transform_indices = #map}]} {
    %eq3A = arith.constant 0 : i32
    %eq3A_0 = arith.cmpi eq, %arg0, %eq3A : i32
    %select_n3A = arith.constant 72 : i32
    %select_n3A_1 = arith.constant 88 : i32
    %select_n3A_2 = arith.select %eq3A_0, %select_n3A_1, %select_n3A : i32
    %eq3A_3 = arith.constant 0 : i32
    %eq3A_4 = arith.cmpi eq, %arg0, %eq3A_3 : i32
    %mul3A = arith.constant 88 : i32
    %mul3A_5 = arith.muli %arg1, %mul3A : i32
    %mul3A_6 = arith.constant 72 : i32
    %mul3A_7 = arith.muli %arg1, %mul3A_6 : i32
    %add3A = arith.constant 1408 : i32
    %add3A_8 = arith.addi %add3A, %mul3A_7 : i32
    %select_n3A_9 = arith.select %eq3A_4, %mul3A_5, %add3A_8 : i32
    %mul3A_10 = arith.constant 640 : i32
    %mul3A_11 = arith.muli %arg1, %mul3A_10 : i32
    %mul3A_12 = arith.constant 640 : i32
    %mul3A_13 = arith.muli %arg1, %mul3A_12 : i32
    "tpu.region"() ({
      %run_scoped3A = tpu.sem_alloc : memref<!tpu.dma_semaphore, #tpu.memory_space<semaphore_mem>>
      %dma_start3A = tpu.memref_slice %arg8[%mul3A_13] : memref<10240xf32, #tpu.memory_space<vmem_shared>> -> memref<640xf32, #tpu.memory_space<vmem_shared>>
      %dma_start3A_38 = tpu.memref_slice %arg4[%mul3A_11] : memref<10240xf32, #tpu.memory_space<hbm>> -> memref<640xf32, #tpu.memory_space<hbm>>
      tpu.enqueue_dma source(%dma_start3A_38 : memref<640xf32, #tpu.memory_space<hbm>>) target(%dma_start3A : memref<640xf32, #tpu.memory_space<vmem_shared>>) target_semaphore(%run_scoped3A : memref<!tpu.dma_semaphore, #tpu.memory_space<semaphore_mem>>)
      %dma_wait3A = tpu.memref_slice %arg8[%mul3A_13] : memref<10240xf32, #tpu.memory_space<vmem_shared>> -> memref<640xf32, #tpu.memory_space<vmem_shared>>
      %dma_wait3A_39 = tpu.memref_slice %arg4[%mul3A_11] : memref<10240xf32, #tpu.memory_space<hbm>> -> memref<640xf32, #tpu.memory_space<hbm>>
      tpu.wait_dma2 semaphore(%run_scoped3A : memref<!tpu.dma_semaphore, #tpu.memory_space<semaphore_mem>>) src(%dma_wait3A_39 : memref<640xf32, #tpu.memory_space<hbm>>) dst(%dma_wait3A : memref<640xf32, #tpu.memory_space<vmem_shared>>)
      tpu.yield
    }) : () -> ()
    "tpu.region"() ({
      %run_scoped3A = tpu.sem_alloc : memref<!tpu.dma_semaphore, #tpu.memory_space<semaphore_mem>>
      %dma_start3A = arith.constant 0 : i32
      %dma_start3A_38 = tpu.memref_slice %arg2[%select_n3A_9, %dma_start3A] : memref<2560x128xi32, #tpu.memory_space<hbm>> -> memref<88x128xi32, #tpu.memory_space<hbm>>
      %dma_start3A_39 = arith.constant 0 : i32
      %dma_start3A_40 = tpu.memref_slice %arg2[%select_n3A_9, %dma_start3A_39] : memref<2560x128xi32, #tpu.memory_space<hbm>> -> memref<88x128xi32, #tpu.memory_space<hbm>>
      tpu.enqueue_dma source(%dma_start3A_40 : memref<88x128xi32, #tpu.memory_space<hbm>>) target(%arg6 : memref<88x128xi32, #tpu.memory_space<vmem>>) target_semaphore(%run_scoped3A : memref<!tpu.dma_semaphore, #tpu.memory_space<semaphore_mem>>)
      %dma_wait3A = arith.constant 0 : i32
      %dma_wait3A_41 = tpu.memref_slice %arg2[%select_n3A_9, %dma_wait3A] : memref<2560x128xi32, #tpu.memory_space<hbm>> -> memref<88x128xi32, #tpu.memory_space<hbm>>
      %dma_wait3A_42 = arith.constant 0 : i32
      %dma_wait3A_43 = tpu.memref_slice %arg2[%select_n3A_9, %dma_wait3A_42] : memref<2560x128xi32, #tpu.memory_space<hbm>> -> memref<88x128xi32, #tpu.memory_space<hbm>>
      tpu.wait_dma2 semaphore(%run_scoped3A : memref<!tpu.dma_semaphore, #tpu.memory_space<semaphore_mem>>) src(%dma_wait3A_43 : memref<88x128xi32, #tpu.memory_space<hbm>>) dst(%arg6 : memref<88x128xi32, #tpu.memory_space<vmem>>)
      tpu.yield
    }) : () -> ()
    "tpu.region"() ({
      %run_scoped3A = tpu.sem_alloc : memref<!tpu.dma_semaphore, #tpu.memory_space<semaphore_mem>>
      tpu.enqueue_dma source(%arg3 : memref<88x128xf32, #tpu.memory_space<hbm>>) target(%arg7 : memref<88x128xf32, #tpu.memory_space<vmem>>) target_semaphore(%run_scoped3A : memref<!tpu.dma_semaphore, #tpu.memory_space<semaphore_mem>>)
      tpu.wait_dma2 semaphore(%run_scoped3A : memref<!tpu.dma_semaphore, #tpu.memory_space<semaphore_mem>>) src(%arg3 : memref<88x128xf32, #tpu.memory_space<hbm>>) dst(%arg7 : memref<88x128xf32, #tpu.memory_space<vmem>>)
      tpu.yield
    }) : () -> ()
    %barrier3A = arith.constant 0 : index
    tpu.barrier barrier_id(%barrier3A)
    %while3A = arith.constant 0 : i32
    %while3A_14 = arith.constant 0 : i32
    %while3A_15 = arith.subi %select_n3A_2, %while3A_14 : i32
    %while3A_16 = arith.addi %while3A_14, %while3A_15 : i32
    %while3A_17 = arith.constant 1 : i32
    %while3A_18 = arith.divsi %while3A_15, %while3A_17 : i32
    %while3A_19 = arith.muli %while3A_18, %while3A_17 : i32
    %while3A_20 = arith.addi %while3A_14, %while3A_19 : i32
    %while3A_21 = arith.constant 1 : i32
    scf.for %while3A_38 = %while3A_14 to %while3A_20 step %while3A_21  : i32 {
      %dma_start3A = arith.constant 0 : i32
      %dma_start3A_39 = tpu.memref_slice %arg7[%while3A_38, %dma_start3A] : memref<88x128xf32, #tpu.memory_space<vmem>> -> memref<1x128xf32, #tpu.memory_space<vmem>>
      %dma_start3A_40 = tpu.memref_squeeze %dma_start3A_39 : memref<1x128xf32, #tpu.memory_space<vmem>> -> memref<128xf32, #tpu.memory_space<vmem>>
      %dma_start3A_41 = arith.constant 0 : i32
      %dma_start3A_42 = tpu.memref_slice %arg6[%while3A_38, %dma_start3A_41] : memref<88x128xi32, #tpu.memory_space<vmem>> -> memref<1x128xi32, #tpu.memory_space<vmem>>
      %dma_start3A_43 = tpu.memref_squeeze %dma_start3A_42 : memref<1x128xi32, #tpu.memory_space<vmem>> -> memref<128xi32, #tpu.memory_space<vmem>>
      %dma_start3A_44 = arith.constant 0 : i32
      %dma_start3A_45 = tpu.memref_slice %arg8[%dma_start3A_44] : memref<10240xf32, #tpu.memory_space<vmem_shared>> -> memref<10240xf32, #tpu.memory_space<vmem_shared>>
      tpu.enqueue_indirect_dma source(%dma_start3A_40 : memref<128xf32, #tpu.memory_space<vmem>>) target(%dma_start3A_45 : memref<10240xf32, #tpu.memory_space<vmem_shared>>) offsets(%dma_start3A_43 : memref<128xi32, #tpu.memory_space<vmem>>) semaphore(%arg9 : memref<!tpu.dma_semaphore, #tpu.memory_space<semaphore_mem>>) {add = true}
    }
    %while3A_22 = arith.constant 1 : i32
    scf.for %while3A_38 = %while3A_20 to %while3A_16 step %while3A_22  : i32 {
      %dma_start3A = arith.constant 0 : i32
      %dma_start3A_39 = tpu.memref_slice %arg7[%while3A_38, %dma_start3A] : memref<88x128xf32, #tpu.memory_space<vmem>> -> memref<1x128xf32, #tpu.memory_space<vmem>>
      %dma_start3A_40 = tpu.memref_squeeze %dma_start3A_39 : memref<1x128xf32, #tpu.memory_space<vmem>> -> memref<128xf32, #tpu.memory_space<vmem>>
      %dma_start3A_41 = arith.constant 0 : i32
      %dma_start3A_42 = tpu.memref_slice %arg6[%while3A_38, %dma_start3A_41] : memref<88x128xi32, #tpu.memory_space<vmem>> -> memref<1x128xi32, #tpu.memory_space<vmem>>
      %dma_start3A_43 = tpu.memref_squeeze %dma_start3A_42 : memref<1x128xi32, #tpu.memory_space<vmem>> -> memref<128xi32, #tpu.memory_space<vmem>>
      %dma_start3A_44 = arith.constant 0 : i32
      %dma_start3A_45 = tpu.memref_slice %arg8[%dma_start3A_44] : memref<10240xf32, #tpu.memory_space<vmem_shared>> -> memref<10240xf32, #tpu.memory_space<vmem_shared>>
      tpu.enqueue_indirect_dma source(%dma_start3A_40 : memref<128xf32, #tpu.memory_space<vmem>>) target(%dma_start3A_45 : memref<10240xf32, #tpu.memory_space<vmem_shared>>) offsets(%dma_start3A_43 : memref<128xi32, #tpu.memory_space<vmem>>) semaphore(%arg9 : memref<!tpu.dma_semaphore, #tpu.memory_space<semaphore_mem>>) {add = true}
    }
    %while3A_23 = arith.constant 0 : i32
    %while3A_24 = arith.constant 0 : i32
    %while3A_25 = arith.subi %select_n3A_2, %while3A_24 : i32
    %while3A_26 = arith.addi %while3A_24, %while3A_25 : i32
    %while3A_27 = arith.constant 1 : i32
    %while3A_28 = arith.divsi %while3A_25, %while3A_27 : i32
    %while3A_29 = arith.muli %while3A_28, %while3A_27 : i32
    %while3A_30 = arith.addi %while3A_24, %while3A_29 : i32
    %while3A_31 = arith.constant 1 : i32
    scf.for %while3A_38 = %while3A_24 to %while3A_30 step %while3A_31  : i32 {
      %dma_wait3A = arith.constant 0 : i32
      %dma_wait3A_39 = tpu.memref_slice %arg7[%while3A_38, %dma_wait3A] : memref<88x128xf32, #tpu.memory_space<vmem>> -> memref<1x128xf32, #tpu.memory_space<vmem>>
      %dma_wait3A_40 = tpu.memref_squeeze %dma_wait3A_39 : memref<1x128xf32, #tpu.memory_space<vmem>> -> memref<128xf32, #tpu.memory_space<vmem>>
      %dma_wait3A_41 = arith.constant 0 : i32
      %dma_wait3A_42 = tpu.memref_slice %arg6[%while3A_38, %dma_wait3A_41] : memref<88x128xi32, #tpu.memory_space<vmem>> -> memref<1x128xi32, #tpu.memory_space<vmem>>
      %dma_wait3A_43 = tpu.memref_squeeze %dma_wait3A_42 : memref<1x128xi32, #tpu.memory_space<vmem>> -> memref<128xi32, #tpu.memory_space<vmem>>
      %dma_wait3A_44 = arith.constant 0 : i32
      %dma_wait3A_45 = tpu.memref_slice %arg8[%dma_wait3A_44] : memref<10240xf32, #tpu.memory_space<vmem_shared>> -> memref<10240xf32, #tpu.memory_space<vmem_shared>>
      tpu.wait_indirect_dma semaphore(%arg9 : memref<!tpu.dma_semaphore, #tpu.memory_space<semaphore_mem>>) src(%dma_wait3A_40 : memref<128xf32, #tpu.memory_space<vmem>>) dst(%dma_wait3A_45 : memref<10240xf32, #tpu.memory_space<vmem_shared>>)
    }
    %while3A_32 = arith.constant 1 : i32
    scf.for %while3A_38 = %while3A_30 to %while3A_26 step %while3A_32  : i32 {
      %dma_wait3A = arith.constant 0 : i32
      %dma_wait3A_39 = tpu.memref_slice %arg7[%while3A_38, %dma_wait3A] : memref<88x128xf32, #tpu.memory_space<vmem>> -> memref<1x128xf32, #tpu.memory_space<vmem>>
      %dma_wait3A_40 = tpu.memref_squeeze %dma_wait3A_39 : memref<1x128xf32, #tpu.memory_space<vmem>> -> memref<128xf32, #tpu.memory_space<vmem>>
      %dma_wait3A_41 = arith.constant 0 : i32
      %dma_wait3A_42 = tpu.memref_slice %arg6[%while3A_38, %dma_wait3A_41] : memref<88x128xi32, #tpu.memory_space<vmem>> -> memref<1x128xi32, #tpu.memory_space<vmem>>
      %dma_wait3A_43 = tpu.memref_squeeze %dma_wait3A_42 : memref<1x128xi32, #tpu.memory_space<vmem>> -> memref<128xi32, #tpu.memory_space<vmem>>
      %dma_wait3A_44 = arith.constant 0 : i32
      %dma_wait3A_45 = tpu.memref_slice %arg8[%dma_wait3A_44] : memref<10240xf32, #tpu.memory_space<vmem_shared>> -> memref<10240xf32, #tpu.memory_space<vmem_shared>>
      tpu.wait_indirect_dma semaphore(%arg9 : memref<!tpu.dma_semaphore, #tpu.memory_space<semaphore_mem>>) src(%dma_wait3A_40 : memref<128xf32, #tpu.memory_space<vmem>>) dst(%dma_wait3A_45 : memref<10240xf32, #tpu.memory_space<vmem_shared>>)
    }
    %barrier3A_33 = arith.constant 0 : index
    tpu.barrier barrier_id(%barrier3A_33)
    %mul3A_34 = arith.constant 640 : i32
    %mul3A_35 = arith.muli %arg1, %mul3A_34 : i32
    %mul3A_36 = arith.constant 640 : i32
    %mul3A_37 = arith.muli %arg1, %mul3A_36 : i32
    "tpu.region"() ({
      %run_scoped3A = tpu.sem_alloc : memref<!tpu.dma_semaphore, #tpu.memory_space<semaphore_mem>>
      %dma_start3A = tpu.memref_slice %arg5[%arg0, %mul3A_37] : memref<2x10240xf32, #tpu.memory_space<hbm>> -> memref<1x640xf32, #tpu.memory_space<hbm>>
      %dma_start3A_38 = tpu.memref_squeeze %dma_start3A : memref<1x640xf32, #tpu.memory_space<hbm>> -> memref<640xf32, #tpu.memory_space<hbm>>
      %dma_start3A_39 = tpu.memref_slice %arg8[%mul3A_35] : memref<10240xf32, #tpu.memory_space<vmem_shared>> -> memref<640xf32, #tpu.memory_space<vmem_shared>>
      tpu.enqueue_dma source(%dma_start3A_39 : memref<640xf32, #tpu.memory_space<vmem_shared>>) target(%dma_start3A_38 : memref<640xf32, #tpu.memory_space<hbm>>) target_semaphore(%run_scoped3A : memref<!tpu.dma_semaphore, #tpu.memory_space<semaphore_mem>>)
      %dma_wait3A = tpu.memref_slice %arg5[%arg0, %mul3A_37] : memref<2x10240xf32, #tpu.memory_space<hbm>> -> memref<1x640xf32, #tpu.memory_space<hbm>>
      %dma_wait3A_40 = tpu.memref_squeeze %dma_wait3A : memref<1x640xf32, #tpu.memory_space<hbm>> -> memref<640xf32, #tpu.memory_space<hbm>>
      %dma_wait3A_41 = tpu.memref_slice %arg8[%mul3A_35] : memref<10240xf32, #tpu.memory_space<vmem_shared>> -> memref<640xf32, #tpu.memory_space<vmem_shared>>
      tpu.wait_dma2 semaphore(%run_scoped3A : memref<!tpu.dma_semaphore, #tpu.memory_space<semaphore_mem>>) src(%dma_wait3A_41 : memref<640xf32, #tpu.memory_space<vmem_shared>>) dst(%dma_wait3A_40 : memref<640xf32, #tpu.memory_space<hbm>>)
      tpu.yield
    }) : () -> ()
    return
  }
}

#map = affine_map<(d0, d1) -> (0, 0)>
#map1 = affine_map<(d0, d1) -> (0, 0, 0)>
module attributes {stable_mosaic.version = 14 : i64} {
  func.func @_sc_msg_body(%arg0: i32, %arg1: i32, %arg2: memref<10240x32xf32, #tpu.memory_space<hbm>>, %arg3: memref<2560x128xi32, #tpu.memory_space<hbm>>, %arg4: memref<2560x128xi32, #tpu.memory_space<hbm>>, %arg5: memref<10240x32xf32, #tpu.memory_space<hbm>>, %arg6: memref<2x10240x32xf32, #tpu.memory_space<hbm>>, %arg7: memref<88x128xi32, #tpu.memory_space<vmem>>, %arg8: memref<88x128xi32, #tpu.memory_space<vmem>>, %arg9: memref<128x32xf32, #tpu.memory_space<vmem>>, %arg10: memref<128x32xf32, #tpu.memory_space<vmem>>, %arg11: memref<128x32xf32, #tpu.memory_space<vmem>>, %arg12: memref<128x32xf32, #tpu.memory_space<vmem>>, %arg13: memref<10240x32xf32, #tpu.memory_space<vmem_shared>>, %arg14: memref<10240x32xf32, #tpu.memory_space<vmem_shared>>, %arg15: memref<!tpu.dma_semaphore, #tpu.memory_space<semaphore_mem>>, %arg16: memref<!tpu.dma_semaphore, #tpu.memory_space<semaphore_mem>>, %arg17: memref<!tpu.dma_semaphore, #tpu.memory_space<semaphore_mem>>, %arg18: memref<!tpu.dma_semaphore, #tpu.memory_space<semaphore_mem>>, %arg19: memref<!tpu.dma_semaphore, #tpu.memory_space<semaphore_mem>>, %arg20: memref<!tpu.dma_semaphore, #tpu.memory_space<semaphore_mem>>, %arg21: memref<!tpu.dma_semaphore, #tpu.memory_space<semaphore_mem>>, %arg22: memref<!tpu.dma_semaphore, #tpu.memory_space<semaphore_mem>>) attributes {dimension_semantics = [#tpu.dimension_semantics<core_parallel>, #tpu.dimension_semantics<subcore_parallel>], iteration_bounds = array<i64: 2, 16>, scalar_prefetch = 0 : i64, scratch_operands = 16 : i64, tpu.core_type = #tpu.core_type<sc_vector_subcore>, window_params = [{transform_indices = #map}, {transform_indices = #map}, {transform_indices = #map}, {transform_indices = #map}, {transform_indices = #map1}]} {
    %eq3A = arith.constant 0 : i32
    %eq3A_0 = arith.cmpi eq, %arg0, %eq3A : i32
    %select_n3A = arith.constant 72 : i32
    %select_n3A_1 = arith.constant 88 : i32
    %select_n3A_2 = arith.select %eq3A_0, %select_n3A_1, %select_n3A : i32
    %eq3A_3 = arith.constant 0 : i32
    %eq3A_4 = arith.cmpi eq, %arg0, %eq3A_3 : i32
    %mul3A = arith.constant 88 : i32
    %mul3A_5 = arith.muli %arg1, %mul3A : i32
    %mul3A_6 = arith.constant 72 : i32
    %mul3A_7 = arith.muli %arg1, %mul3A_6 : i32
    %add3A = arith.constant 1408 : i32
    %add3A_8 = arith.addi %add3A, %mul3A_7 : i32
    %select_n3A_9 = arith.select %eq3A_4, %mul3A_5, %add3A_8 : i32
    %mul3A_10 = arith.constant 640 : i32
    %mul3A_11 = arith.muli %arg1, %mul3A_10 : i32
    %mul3A_12 = arith.constant 640 : i32
    %mul3A_13 = arith.muli %arg1, %mul3A_12 : i32
    "tpu.region"() ({
      %run_scoped3A = tpu.sem_alloc : memref<!tpu.dma_semaphore, #tpu.memory_space<semaphore_mem>>
      %dma_start3A_91 = arith.constant 0 : i32
      %dma_start3A_92 = tpu.memref_slice %arg13[%mul3A_13, %dma_start3A_91] : memref<10240x32xf32, #tpu.memory_space<vmem_shared>> -> memref<640x32xf32, #tpu.memory_space<vmem_shared>>
      %dma_start3A_93 = arith.constant 0 : i32
      %dma_start3A_94 = tpu.memref_slice %arg5[%mul3A_11, %dma_start3A_93] : memref<10240x32xf32, #tpu.memory_space<hbm>> -> memref<640x32xf32, #tpu.memory_space<hbm>>
      tpu.enqueue_dma source(%dma_start3A_94 : memref<640x32xf32, #tpu.memory_space<hbm>>) target(%dma_start3A_92 : memref<640x32xf32, #tpu.memory_space<vmem_shared>>) target_semaphore(%run_scoped3A : memref<!tpu.dma_semaphore, #tpu.memory_space<semaphore_mem>>)
      %dma_wait3A_95 = arith.constant 0 : i32
      %dma_wait3A_96 = tpu.memref_slice %arg13[%mul3A_13, %dma_wait3A_95] : memref<10240x32xf32, #tpu.memory_space<vmem_shared>> -> memref<640x32xf32, #tpu.memory_space<vmem_shared>>
      %dma_wait3A_97 = arith.constant 0 : i32
      %dma_wait3A_98 = tpu.memref_slice %arg5[%mul3A_11, %dma_wait3A_97] : memref<10240x32xf32, #tpu.memory_space<hbm>> -> memref<640x32xf32, #tpu.memory_space<hbm>>
      tpu.wait_dma2 semaphore(%run_scoped3A : memref<!tpu.dma_semaphore, #tpu.memory_space<semaphore_mem>>) src(%dma_wait3A_98 : memref<640x32xf32, #tpu.memory_space<hbm>>) dst(%dma_wait3A_96 : memref<640x32xf32, #tpu.memory_space<vmem_shared>>)
      tpu.yield
    }) : () -> ()
    %mul3A_14 = arith.constant 640 : i32
    %mul3A_15 = arith.muli %arg1, %mul3A_14 : i32
    %mul3A_16 = arith.constant 640 : i32
    %mul3A_17 = arith.muli %arg1, %mul3A_16 : i32
    "tpu.region"() ({
      %run_scoped3A = tpu.sem_alloc : memref<!tpu.dma_semaphore, #tpu.memory_space<semaphore_mem>>
      %dma_start3A_91 = arith.constant 0 : i32
      %dma_start3A_92 = tpu.memref_slice %arg14[%mul3A_17, %dma_start3A_91] : memref<10240x32xf32, #tpu.memory_space<vmem_shared>> -> memref<640x32xf32, #tpu.memory_space<vmem_shared>>
      %dma_start3A_93 = arith.constant 0 : i32
      %dma_start3A_94 = tpu.memref_slice %arg2[%mul3A_15, %dma_start3A_93] : memref<10240x32xf32, #tpu.memory_space<hbm>> -> memref<640x32xf32, #tpu.memory_space<hbm>>
      tpu.enqueue_dma source(%dma_start3A_94 : memref<640x32xf32, #tpu.memory_space<hbm>>) target(%dma_start3A_92 : memref<640x32xf32, #tpu.memory_space<vmem_shared>>) target_semaphore(%run_scoped3A : memref<!tpu.dma_semaphore, #tpu.memory_space<semaphore_mem>>)
      %dma_wait3A_95 = arith.constant 0 : i32
      %dma_wait3A_96 = tpu.memref_slice %arg14[%mul3A_17, %dma_wait3A_95] : memref<10240x32xf32, #tpu.memory_space<vmem_shared>> -> memref<640x32xf32, #tpu.memory_space<vmem_shared>>
      %dma_wait3A_97 = arith.constant 0 : i32
      %dma_wait3A_98 = tpu.memref_slice %arg2[%mul3A_15, %dma_wait3A_97] : memref<10240x32xf32, #tpu.memory_space<hbm>> -> memref<640x32xf32, #tpu.memory_space<hbm>>
      tpu.wait_dma2 semaphore(%run_scoped3A : memref<!tpu.dma_semaphore, #tpu.memory_space<semaphore_mem>>) src(%dma_wait3A_98 : memref<640x32xf32, #tpu.memory_space<hbm>>) dst(%dma_wait3A_96 : memref<640x32xf32, #tpu.memory_space<vmem_shared>>)
      tpu.yield
    }) : () -> ()
    "tpu.region"() ({
      %run_scoped3A = tpu.sem_alloc : memref<!tpu.dma_semaphore, #tpu.memory_space<semaphore_mem>>
      %dma_start3A_91 = arith.constant 0 : i32
      %dma_start3A_92 = tpu.memref_slice %arg3[%select_n3A_9, %dma_start3A_91] : memref<2560x128xi32, #tpu.memory_space<hbm>> -> memref<88x128xi32, #tpu.memory_space<hbm>>
      %dma_start3A_93 = arith.constant 0 : i32
      %dma_start3A_94 = tpu.memref_slice %arg3[%select_n3A_9, %dma_start3A_93] : memref<2560x128xi32, #tpu.memory_space<hbm>> -> memref<88x128xi32, #tpu.memory_space<hbm>>
      tpu.enqueue_dma source(%dma_start3A_94 : memref<88x128xi32, #tpu.memory_space<hbm>>) target(%arg7 : memref<88x128xi32, #tpu.memory_space<vmem>>) target_semaphore(%run_scoped3A : memref<!tpu.dma_semaphore, #tpu.memory_space<semaphore_mem>>)
      %dma_wait3A_95 = arith.constant 0 : i32
      %dma_wait3A_96 = tpu.memref_slice %arg3[%select_n3A_9, %dma_wait3A_95] : memref<2560x128xi32, #tpu.memory_space<hbm>> -> memref<88x128xi32, #tpu.memory_space<hbm>>
      %dma_wait3A_97 = arith.constant 0 : i32
      %dma_wait3A_98 = tpu.memref_slice %arg3[%select_n3A_9, %dma_wait3A_97] : memref<2560x128xi32, #tpu.memory_space<hbm>> -> memref<88x128xi32, #tpu.memory_space<hbm>>
      tpu.wait_dma2 semaphore(%run_scoped3A : memref<!tpu.dma_semaphore, #tpu.memory_space<semaphore_mem>>) src(%dma_wait3A_98 : memref<88x128xi32, #tpu.memory_space<hbm>>) dst(%arg7 : memref<88x128xi32, #tpu.memory_space<vmem>>)
      tpu.yield
    }) : () -> ()
    "tpu.region"() ({
      %run_scoped3A = tpu.sem_alloc : memref<!tpu.dma_semaphore, #tpu.memory_space<semaphore_mem>>
      %dma_start3A_91 = arith.constant 0 : i32
      %dma_start3A_92 = tpu.memref_slice %arg4[%select_n3A_9, %dma_start3A_91] : memref<2560x128xi32, #tpu.memory_space<hbm>> -> memref<88x128xi32, #tpu.memory_space<hbm>>
      %dma_start3A_93 = arith.constant 0 : i32
      %dma_start3A_94 = tpu.memref_slice %arg4[%select_n3A_9, %dma_start3A_93] : memref<2560x128xi32, #tpu.memory_space<hbm>> -> memref<88x128xi32, #tpu.memory_space<hbm>>
      tpu.enqueue_dma source(%dma_start3A_94 : memref<88x128xi32, #tpu.memory_space<hbm>>) target(%arg8 : memref<88x128xi32, #tpu.memory_space<vmem>>) target_semaphore(%run_scoped3A : memref<!tpu.dma_semaphore, #tpu.memory_space<semaphore_mem>>)
      %dma_wait3A_95 = arith.constant 0 : i32
      %dma_wait3A_96 = tpu.memref_slice %arg4[%select_n3A_9, %dma_wait3A_95] : memref<2560x128xi32, #tpu.memory_space<hbm>> -> memref<88x128xi32, #tpu.memory_space<hbm>>
      %dma_wait3A_97 = arith.constant 0 : i32
      %dma_wait3A_98 = tpu.memref_slice %arg4[%select_n3A_9, %dma_wait3A_97] : memref<2560x128xi32, #tpu.memory_space<hbm>> -> memref<88x128xi32, #tpu.memory_space<hbm>>
      tpu.wait_dma2 semaphore(%run_scoped3A : memref<!tpu.dma_semaphore, #tpu.memory_space<semaphore_mem>>) src(%dma_wait3A_98 : memref<88x128xi32, #tpu.memory_space<hbm>>) dst(%arg8 : memref<88x128xi32, #tpu.memory_space<vmem>>)
      tpu.yield
    }) : () -> ()
    %barrier3A = arith.constant 0 : index
    tpu.barrier barrier_id(%barrier3A)
    %dma_start3A = arith.constant 0 : i32
    %dma_start3A_18 = arith.constant 0 : i32
    %dma_start3A_19 = tpu.memref_slice %arg7[%dma_start3A, %dma_start3A_18] : memref<88x128xi32, #tpu.memory_space<vmem>> -> memref<1x128xi32, #tpu.memory_space<vmem>>
    %dma_start3A_20 = tpu.memref_squeeze %dma_start3A_19 : memref<1x128xi32, #tpu.memory_space<vmem>> -> memref<128xi32, #tpu.memory_space<vmem>>
    %dma_start3A_21 = arith.constant 0 : i32
    %dma_start3A_22 = arith.constant 0 : i32
    %dma_start3A_23 = tpu.memref_slice %arg14[%dma_start3A_21, %dma_start3A_22] : memref<10240x32xf32, #tpu.memory_space<vmem_shared>> -> memref<10240x32xf32, #tpu.memory_space<vmem_shared>>
    tpu.enqueue_indirect_dma source(%dma_start3A_23 : memref<10240x32xf32, #tpu.memory_space<vmem_shared>>) target(%arg9 : memref<128x32xf32, #tpu.memory_space<vmem>>) offsets(%dma_start3A_20 : memref<128xi32, #tpu.memory_space<vmem>>) semaphore(%arg15 : memref<!tpu.dma_semaphore, #tpu.memory_space<semaphore_mem>>)
    %dma_start3A_24 = arith.constant 1 : i32
    %dma_start3A_25 = arith.constant 0 : i32
    %dma_start3A_26 = tpu.memref_slice %arg7[%dma_start3A_24, %dma_start3A_25] : memref<88x128xi32, #tpu.memory_space<vmem>> -> memref<1x128xi32, #tpu.memory_space<vmem>>
    %dma_start3A_27 = tpu.memref_squeeze %dma_start3A_26 : memref<1x128xi32, #tpu.memory_space<vmem>> -> memref<128xi32, #tpu.memory_space<vmem>>
    %dma_start3A_28 = arith.constant 0 : i32
    %dma_start3A_29 = arith.constant 0 : i32
    %dma_start3A_30 = tpu.memref_slice %arg14[%dma_start3A_28, %dma_start3A_29] : memref<10240x32xf32, #tpu.memory_space<vmem_shared>> -> memref<10240x32xf32, #tpu.memory_space<vmem_shared>>
    tpu.enqueue_indirect_dma source(%dma_start3A_30 : memref<10240x32xf32, #tpu.memory_space<vmem_shared>>) target(%arg10 : memref<128x32xf32, #tpu.memory_space<vmem>>) offsets(%dma_start3A_27 : memref<128xi32, #tpu.memory_space<vmem>>) semaphore(%arg16 : memref<!tpu.dma_semaphore, #tpu.memory_space<semaphore_mem>>)
    %jit3A = arith.constant 4 : i32
    %div3A = arith.divsi %select_n3A_2, %jit3A : i32
    %sign3A = arith.constant 0 : i32
    %sign3A_31 = arith.cmpi sgt, %select_n3A_2, %sign3A : i32
    %sign3A_32 = arith.extui %sign3A_31 : i1 to i32
    %sign3A_33 = arith.constant 0 : i32
    %sign3A_34 = arith.cmpi slt, %select_n3A_2, %sign3A_33 : i32
    %sign3A_35 = arith.extui %sign3A_34 : i1 to i32
    %sign3A_36 = arith.subi %sign3A_32, %sign3A_35 : i32
    %sign3A_37 = arith.constant 0 : i32
    %sign3A_38 = arith.cmpi sgt, %jit3A, %sign3A_37 : i32
    %sign3A_39 = arith.extui %sign3A_38 : i1 to i32
    %sign3A_40 = arith.constant 0 : i32
    %sign3A_41 = arith.cmpi slt, %jit3A, %sign3A_40 : i32
    %sign3A_42 = arith.extui %sign3A_41 : i1 to i32
    %sign3A_43 = arith.subi %sign3A_39, %sign3A_42 : i32
    %ne3A = arith.cmpi ne, %sign3A_36, %sign3A_43 : i32
    %rem3A = arith.remsi %select_n3A_2, %jit3A : i32
    %ne3A_44 = arith.constant 0 : i32
    %ne3A_45 = arith.cmpi ne, %rem3A, %ne3A_44 : i32
    %and3A = arith.andi %ne3A, %ne3A_45 : i1
    %sub3A = arith.constant 1 : i32
    %sub3A_46 = arith.subi %div3A, %sub3A : i32
    %select_n3A_47 = arith.select %and3A, %sub3A_46, %div3A : i32
    %while3A = arith.constant 0 : i32
    %while3A_48 = arith.constant 0 : i32
    %while3A_49 = arith.subi %select_n3A_47, %while3A_48 : i32
    %while3A_50 = arith.addi %while3A_48, %while3A_49 : i32
    %while3A_51 = arith.constant 1 : i32
    %while3A_52 = arith.divsi %while3A_49, %while3A_51 : i32
    %while3A_53 = arith.muli %while3A_52, %while3A_51 : i32
    %while3A_54 = arith.addi %while3A_48, %while3A_53 : i32
    %while3A_55 = arith.constant 1 : i32
    scf.for %while3A_91 = %while3A_48 to %while3A_54 step %while3A_55  : i32 {
      %mul3A_92 = arith.constant 4 : i32
      %mul3A_93 = arith.muli %mul3A_92, %while3A_91 : i32
      %add3A_94 = arith.constant 0 : i32
      %add3A_95 = arith.addi %mul3A_93, %add3A_94 : i32
      %dma_wait3A_96 = arith.constant 0 : i32
      %dma_wait3A_97 = tpu.memref_slice %arg7[%add3A_95, %dma_wait3A_96] : memref<88x128xi32, #tpu.memory_space<vmem>> -> memref<1x128xi32, #tpu.memory_space<vmem>>
      %dma_wait3A_98 = tpu.memref_squeeze %dma_wait3A_97 : memref<1x128xi32, #tpu.memory_space<vmem>> -> memref<128xi32, #tpu.memory_space<vmem>>
      %dma_wait3A_99 = arith.constant 0 : i32
      %dma_wait3A_100 = arith.constant 0 : i32
      %dma_wait3A_101 = tpu.memref_slice %arg14[%dma_wait3A_99, %dma_wait3A_100] : memref<10240x32xf32, #tpu.memory_space<vmem_shared>> -> memref<10240x32xf32, #tpu.memory_space<vmem_shared>>
      tpu.wait_indirect_dma semaphore(%arg15 : memref<!tpu.dma_semaphore, #tpu.memory_space<semaphore_mem>>) src(%dma_wait3A_101 : memref<10240x32xf32, #tpu.memory_space<vmem_shared>>) dst(%arg9 : memref<128x32xf32, #tpu.memory_space<vmem>>)
      %dma_start3A_102 = arith.constant 0 : i32
      %dma_start3A_103 = tpu.memref_slice %arg8[%add3A_95, %dma_start3A_102] : memref<88x128xi32, #tpu.memory_space<vmem>> -> memref<1x128xi32, #tpu.memory_space<vmem>>
      %dma_start3A_104 = tpu.memref_squeeze %dma_start3A_103 : memref<1x128xi32, #tpu.memory_space<vmem>> -> memref<128xi32, #tpu.memory_space<vmem>>
      %dma_start3A_105 = arith.constant 0 : i32
      %dma_start3A_106 = arith.constant 0 : i32
      %dma_start3A_107 = tpu.memref_slice %arg13[%dma_start3A_105, %dma_start3A_106] : memref<10240x32xf32, #tpu.memory_space<vmem_shared>> -> memref<10240x32xf32, #tpu.memory_space<vmem_shared>>
      tpu.enqueue_indirect_dma source(%arg9 : memref<128x32xf32, #tpu.memory_space<vmem>>) target(%dma_start3A_107 : memref<10240x32xf32, #tpu.memory_space<vmem_shared>>) offsets(%dma_start3A_104 : memref<128xi32, #tpu.memory_space<vmem>>) semaphore(%arg19 : memref<!tpu.dma_semaphore, #tpu.memory_space<semaphore_mem>>) {add = true}
      %ge3A = arith.constant 2 : i32
      %ge3A_108 = arith.cmpi sge, %add3A_95, %ge3A : i32
      %convert_element_type3A = arith.extui %ge3A_108 : i1 to i32
      %cond3A = arith.constant 0 : i32
      %cond3A_109 = arith.cmpi ne, %convert_element_type3A, %cond3A : i32
      scf.if %cond3A_109 {
        %sub3A_209 = arith.constant 2 : i32
        %sub3A_210 = arith.subi %add3A_95, %sub3A_209 : i32
        %dma_wait3A_211 = arith.constant 0 : i32
        %dma_wait3A_212 = tpu.memref_slice %arg8[%sub3A_210, %dma_wait3A_211] : memref<88x128xi32, #tpu.memory_space<vmem>> -> memref<1x128xi32, #tpu.memory_space<vmem>>
        %dma_wait3A_213 = tpu.memref_squeeze %dma_wait3A_212 : memref<1x128xi32, #tpu.memory_space<vmem>> -> memref<128xi32, #tpu.memory_space<vmem>>
        %dma_wait3A_214 = arith.constant 0 : i32
        %dma_wait3A_215 = arith.constant 0 : i32
        %dma_wait3A_216 = tpu.memref_slice %arg13[%dma_wait3A_214, %dma_wait3A_215] : memref<10240x32xf32, #tpu.memory_space<vmem_shared>> -> memref<10240x32xf32, #tpu.memory_space<vmem_shared>>
        tpu.wait_indirect_dma semaphore(%arg21 : memref<!tpu.dma_semaphore, #tpu.memory_space<semaphore_mem>>) src(%arg11 : memref<128x32xf32, #tpu.memory_space<vmem>>) dst(%dma_wait3A_216 : memref<10240x32xf32, #tpu.memory_space<vmem_shared>>)
      } else {
      }
      %add3A_110 = arith.constant 2 : i32
      %add3A_111 = arith.addi %add3A_95, %add3A_110 : i32
      %rem3A_112 = arith.remsi %add3A_111, %select_n3A_2 : i32
      %dma_start3A_113 = arith.constant 0 : i32
      %dma_start3A_114 = tpu.memref_slice %arg7[%rem3A_112, %dma_start3A_113] : memref<88x128xi32, #tpu.memory_space<vmem>> -> memref<1x128xi32, #tpu.memory_space<vmem>>
      %dma_start3A_115 = tpu.memref_squeeze %dma_start3A_114 : memref<1x128xi32, #tpu.memory_space<vmem>> -> memref<128xi32, #tpu.memory_space<vmem>>
      %dma_start3A_116 = arith.constant 0 : i32
      %dma_start3A_117 = arith.constant 0 : i32
      %dma_start3A_118 = tpu.memref_slice %arg14[%dma_start3A_116, %dma_start3A_117] : memref<10240x32xf32, #tpu.memory_space<vmem_shared>> -> memref<10240x32xf32, #tpu.memory_space<vmem_shared>>
      tpu.enqueue_indirect_dma source(%dma_start3A_118 : memref<10240x32xf32, #tpu.memory_space<vmem_shared>>) target(%arg11 : memref<128x32xf32, #tpu.memory_space<vmem>>) offsets(%dma_start3A_115 : memref<128xi32, #tpu.memory_space<vmem>>) semaphore(%arg17 : memref<!tpu.dma_semaphore, #tpu.memory_space<semaphore_mem>>)
      %mul3A_119 = arith.constant 4 : i32
      %mul3A_120 = arith.muli %mul3A_119, %while3A_91 : i32
      %add3A_121 = arith.constant 1 : i32
      %add3A_122 = arith.addi %mul3A_120, %add3A_121 : i32
      %dma_wait3A_123 = arith.constant 0 : i32
      %dma_wait3A_124 = tpu.memref_slice %arg7[%add3A_122, %dma_wait3A_123] : memref<88x128xi32, #tpu.memory_space<vmem>> -> memref<1x128xi32, #tpu.memory_space<vmem>>
      %dma_wait3A_125 = tpu.memref_squeeze %dma_wait3A_124 : memref<1x128xi32, #tpu.memory_space<vmem>> -> memref<128xi32, #tpu.memory_space<vmem>>
      %dma_wait3A_126 = arith.constant 0 : i32
      %dma_wait3A_127 = arith.constant 0 : i32
      %dma_wait3A_128 = tpu.memref_slice %arg14[%dma_wait3A_126, %dma_wait3A_127] : memref<10240x32xf32, #tpu.memory_space<vmem_shared>> -> memref<10240x32xf32, #tpu.memory_space<vmem_shared>>
      tpu.wait_indirect_dma semaphore(%arg16 : memref<!tpu.dma_semaphore, #tpu.memory_space<semaphore_mem>>) src(%dma_wait3A_128 : memref<10240x32xf32, #tpu.memory_space<vmem_shared>>) dst(%arg10 : memref<128x32xf32, #tpu.memory_space<vmem>>)
      %dma_start3A_129 = arith.constant 0 : i32
      %dma_start3A_130 = tpu.memref_slice %arg8[%add3A_122, %dma_start3A_129] : memref<88x128xi32, #tpu.memory_space<vmem>> -> memref<1x128xi32, #tpu.memory_space<vmem>>
      %dma_start3A_131 = tpu.memref_squeeze %dma_start3A_130 : memref<1x128xi32, #tpu.memory_space<vmem>> -> memref<128xi32, #tpu.memory_space<vmem>>
      %dma_start3A_132 = arith.constant 0 : i32
      %dma_start3A_133 = arith.constant 0 : i32
      %dma_start3A_134 = tpu.memref_slice %arg13[%dma_start3A_132, %dma_start3A_133] : memref<10240x32xf32, #tpu.memory_space<vmem_shared>> -> memref<10240x32xf32, #tpu.memory_space<vmem_shared>>
      tpu.enqueue_indirect_dma source(%arg10 : memref<128x32xf32, #tpu.memory_space<vmem>>) target(%dma_start3A_134 : memref<10240x32xf32, #tpu.memory_space<vmem_shared>>) offsets(%dma_start3A_131 : memref<128xi32, #tpu.memory_space<vmem>>) semaphore(%arg20 : memref<!tpu.dma_semaphore, #tpu.memory_space<semaphore_mem>>) {add = true}
      %ge3A_135 = arith.constant 2 : i32
      %ge3A_136 = arith.cmpi sge, %add3A_122, %ge3A_135 : i32
      %convert_element_type3A_137 = arith.extui %ge3A_136 : i1 to i32
      %cond3A_138 = arith.constant 0 : i32
      %cond3A_139 = arith.cmpi ne, %convert_element_type3A_137, %cond3A_138 : i32
      scf.if %cond3A_139 {
        %sub3A_209 = arith.constant 2 : i32
        %sub3A_210 = arith.subi %add3A_122, %sub3A_209 : i32
        %dma_wait3A_211 = arith.constant 0 : i32
        %dma_wait3A_212 = tpu.memref_slice %arg8[%sub3A_210, %dma_wait3A_211] : memref<88x128xi32, #tpu.memory_space<vmem>> -> memref<1x128xi32, #tpu.memory_space<vmem>>
        %dma_wait3A_213 = tpu.memref_squeeze %dma_wait3A_212 : memref<1x128xi32, #tpu.memory_space<vmem>> -> memref<128xi32, #tpu.memory_space<vmem>>
        %dma_wait3A_214 = arith.constant 0 : i32
        %dma_wait3A_215 = arith.constant 0 : i32
        %dma_wait3A_216 = tpu.memref_slice %arg13[%dma_wait3A_214, %dma_wait3A_215] : memref<10240x32xf32, #tpu.memory_space<vmem_shared>> -> memref<10240x32xf32, #tpu.memory_space<vmem_shared>>
        tpu.wait_indirect_dma semaphore(%arg22 : memref<!tpu.dma_semaphore, #tpu.memory_space<semaphore_mem>>) src(%arg12 : memref<128x32xf32, #tpu.memory_space<vmem>>) dst(%dma_wait3A_216 : memref<10240x32xf32, #tpu.memory_space<vmem_shared>>)
      } else {
      }
      %add3A_140 = arith.constant 2 : i32
      %add3A_141 = arith.addi %add3A_122, %add3A_140 : i32
      %rem3A_142 = arith.remsi %add3A_141, %select_n3A_2 : i32
      %dma_start3A_143 = arith.constant 0 : i32
      %dma_start3A_144 = tpu.memref_slice %arg7[%rem3A_142, %dma_start3A_143] : memref<88x128xi32, #tpu.memory_space<vmem>> -> memref<1x128xi32, #tpu.memory_space<vmem>>
      %dma_start3A_145 = tpu.memref_squeeze %dma_start3A_144 : memref<1x128xi32, #tpu.memory_space<vmem>> -> memref<128xi32, #tpu.memory_space<vmem>>
      %dma_start3A_146 = arith.constant 0 : i32
      %dma_start3A_147 = arith.constant 0 : i32
      %dma_start3A_148 = tpu.memref_slice %arg14[%dma_start3A_146, %dma_start3A_147] : memref<10240x32xf32, #tpu.memory_space<vmem_shared>> -> memref<10240x32xf32, #tpu.memory_space<vmem_shared>>
      tpu.enqueue_indirect_dma source(%dma_start3A_148 : memref<10240x32xf32, #tpu.memory_space<vmem_shared>>) target(%arg12 : memref<128x32xf32, #tpu.memory_space<vmem>>) offsets(%dma_start3A_145 : memref<128xi32, #tpu.memory_space<vmem>>) semaphore(%arg18 : memref<!tpu.dma_semaphore, #tpu.memory_space<semaphore_mem>>)
      %mul3A_149 = arith.constant 4 : i32
      %mul3A_150 = arith.muli %mul3A_149, %while3A_91 : i32
      %add3A_151 = arith.constant 2 : i32
      %add3A_152 = arith.addi %mul3A_150, %add3A_151 : i32
      %dma_wait3A_153 = arith.constant 0 : i32
      %dma_wait3A_154 = tpu.memref_slice %arg7[%add3A_152, %dma_wait3A_153] : memref<88x128xi32, #tpu.memory_space<vmem>> -> memref<1x128xi32, #tpu.memory_space<vmem>>
      %dma_wait3A_155 = tpu.memref_squeeze %dma_wait3A_154 : memref<1x128xi32, #tpu.memory_space<vmem>> -> memref<128xi32, #tpu.memory_space<vmem>>
      %dma_wait3A_156 = arith.constant 0 : i32
      %dma_wait3A_157 = arith.constant 0 : i32
      %dma_wait3A_158 = tpu.memref_slice %arg14[%dma_wait3A_156, %dma_wait3A_157] : memref<10240x32xf32, #tpu.memory_space<vmem_shared>> -> memref<10240x32xf32, #tpu.memory_space<vmem_shared>>
      tpu.wait_indirect_dma semaphore(%arg17 : memref<!tpu.dma_semaphore, #tpu.memory_space<semaphore_mem>>) src(%dma_wait3A_158 : memref<10240x32xf32, #tpu.memory_space<vmem_shared>>) dst(%arg11 : memref<128x32xf32, #tpu.memory_space<vmem>>)
      %dma_start3A_159 = arith.constant 0 : i32
      %dma_start3A_160 = tpu.memref_slice %arg8[%add3A_152, %dma_start3A_159] : memref<88x128xi32, #tpu.memory_space<vmem>> -> memref<1x128xi32, #tpu.memory_space<vmem>>
      %dma_start3A_161 = tpu.memref_squeeze %dma_start3A_160 : memref<1x128xi32, #tpu.memory_space<vmem>> -> memref<128xi32, #tpu.memory_space<vmem>>
      %dma_start3A_162 = arith.constant 0 : i32
      %dma_start3A_163 = arith.constant 0 : i32
      %dma_start3A_164 = tpu.memref_slice %arg13[%dma_start3A_162, %dma_start3A_163] : memref<10240x32xf32, #tpu.memory_space<vmem_shared>> -> memref<10240x32xf32, #tpu.memory_space<vmem_shared>>
      tpu.enqueue_indirect_dma source(%arg11 : memref<128x32xf32, #tpu.memory_space<vmem>>) target(%dma_start3A_164 : memref<10240x32xf32, #tpu.memory_space<vmem_shared>>) offsets(%dma_start3A_161 : memref<128xi32, #tpu.memory_space<vmem>>) semaphore(%arg21 : memref<!tpu.dma_semaphore, #tpu.memory_space<semaphore_mem>>) {add = true}
      %ge3A_165 = arith.constant 2 : i32
      %ge3A_166 = arith.cmpi sge, %add3A_152, %ge3A_165 : i32
      %convert_element_type3A_167 = arith.extui %ge3A_166 : i1 to i32
      %cond3A_168 = arith.constant 0 : i32
      %cond3A_169 = arith.cmpi ne, %convert_element_type3A_167, %cond3A_168 : i32
      scf.if %cond3A_169 {
        %sub3A_209 = arith.constant 2 : i32
        %sub3A_210 = arith.subi %add3A_152, %sub3A_209 : i32
        %dma_wait3A_211 = arith.constant 0 : i32
        %dma_wait3A_212 = tpu.memref_slice %arg8[%sub3A_210, %dma_wait3A_211] : memref<88x128xi32, #tpu.memory_space<vmem>> -> memref<1x128xi32, #tpu.memory_space<vmem>>
        %dma_wait3A_213 = tpu.memref_squeeze %dma_wait3A_212 : memref<1x128xi32, #tpu.memory_space<vmem>> -> memref<128xi32, #tpu.memory_space<vmem>>
        %dma_wait3A_214 = arith.constant 0 : i32
        %dma_wait3A_215 = arith.constant 0 : i32
        %dma_wait3A_216 = tpu.memref_slice %arg13[%dma_wait3A_214, %dma_wait3A_215] : memref<10240x32xf32, #tpu.memory_space<vmem_shared>> -> memref<10240x32xf32, #tpu.memory_space<vmem_shared>>
        tpu.wait_indirect_dma semaphore(%arg19 : memref<!tpu.dma_semaphore, #tpu.memory_space<semaphore_mem>>) src(%arg9 : memref<128x32xf32, #tpu.memory_space<vmem>>) dst(%dma_wait3A_216 : memref<10240x32xf32, #tpu.memory_space<vmem_shared>>)
      } else {
      }
      %add3A_170 = arith.constant 2 : i32
      %add3A_171 = arith.addi %add3A_152, %add3A_170 : i32
      %rem3A_172 = arith.remsi %add3A_171, %select_n3A_2 : i32
      %dma_start3A_173 = arith.constant 0 : i32
      %dma_start3A_174 = tpu.memref_slice %arg7[%rem3A_172, %dma_start3A_173] : memref<88x128xi32, #tpu.memory_space<vmem>> -> memref<1x128xi32, #tpu.memory_space<vmem>>
      %dma_start3A_175 = tpu.memref_squeeze %dma_start3A_174 : memref<1x128xi32, #tpu.memory_space<vmem>> -> memref<128xi32, #tpu.memory_space<vmem>>
      %dma_start3A_176 = arith.constant 0 : i32
      %dma_start3A_177 = arith.constant 0 : i32
      %dma_start3A_178 = tpu.memref_slice %arg14[%dma_start3A_176, %dma_start3A_177] : memref<10240x32xf32, #tpu.memory_space<vmem_shared>> -> memref<10240x32xf32, #tpu.memory_space<vmem_shared>>
      tpu.enqueue_indirect_dma source(%dma_start3A_178 : memref<10240x32xf32, #tpu.memory_space<vmem_shared>>) target(%arg9 : memref<128x32xf32, #tpu.memory_space<vmem>>) offsets(%dma_start3A_175 : memref<128xi32, #tpu.memory_space<vmem>>) semaphore(%arg15 : memref<!tpu.dma_semaphore, #tpu.memory_space<semaphore_mem>>)
      %mul3A_179 = arith.constant 4 : i32
      %mul3A_180 = arith.muli %mul3A_179, %while3A_91 : i32
      %add3A_181 = arith.constant 3 : i32
      %add3A_182 = arith.addi %mul3A_180, %add3A_181 : i32
      %dma_wait3A_183 = arith.constant 0 : i32
      %dma_wait3A_184 = tpu.memref_slice %arg7[%add3A_182, %dma_wait3A_183] : memref<88x128xi32, #tpu.memory_space<vmem>> -> memref<1x128xi32, #tpu.memory_space<vmem>>
      %dma_wait3A_185 = tpu.memref_squeeze %dma_wait3A_184 : memref<1x128xi32, #tpu.memory_space<vmem>> -> memref<128xi32, #tpu.memory_space<vmem>>
      %dma_wait3A_186 = arith.constant 0 : i32
      %dma_wait3A_187 = arith.constant 0 : i32
      %dma_wait3A_188 = tpu.memref_slice %arg14[%dma_wait3A_186, %dma_wait3A_187] : memref<10240x32xf32, #tpu.memory_space<vmem_shared>> -> memref<10240x32xf32, #tpu.memory_space<vmem_shared>>
      tpu.wait_indirect_dma semaphore(%arg18 : memref<!tpu.dma_semaphore, #tpu.memory_space<semaphore_mem>>) src(%dma_wait3A_188 : memref<10240x32xf32, #tpu.memory_space<vmem_shared>>) dst(%arg12 : memref<128x32xf32, #tpu.memory_space<vmem>>)
      %dma_start3A_189 = arith.constant 0 : i32
      %dma_start3A_190 = tpu.memref_slice %arg8[%add3A_182, %dma_start3A_189] : memref<88x128xi32, #tpu.memory_space<vmem>> -> memref<1x128xi32, #tpu.memory_space<vmem>>
      %dma_start3A_191 = tpu.memref_squeeze %dma_start3A_190 : memref<1x128xi32, #tpu.memory_space<vmem>> -> memref<128xi32, #tpu.memory_space<vmem>>
      %dma_start3A_192 = arith.constant 0 : i32
      %dma_start3A_193 = arith.constant 0 : i32
      %dma_start3A_194 = tpu.memref_slice %arg13[%dma_start3A_192, %dma_start3A_193] : memref<10240x32xf32, #tpu.memory_space<vmem_shared>> -> memref<10240x32xf32, #tpu.memory_space<vmem_shared>>
      tpu.enqueue_indirect_dma source(%arg12 : memref<128x32xf32, #tpu.memory_space<vmem>>) target(%dma_start3A_194 : memref<10240x32xf32, #tpu.memory_space<vmem_shared>>) offsets(%dma_start3A_191 : memref<128xi32, #tpu.memory_space<vmem>>) semaphore(%arg22 : memref<!tpu.dma_semaphore, #tpu.memory_space<semaphore_mem>>) {add = true}
      %ge3A_195 = arith.constant 2 : i32
      %ge3A_196 = arith.cmpi sge, %add3A_182, %ge3A_195 : i32
      %convert_element_type3A_197 = arith.extui %ge3A_196 : i1 to i32
      %cond3A_198 = arith.constant 0 : i32
      %cond3A_199 = arith.cmpi ne, %convert_element_type3A_197, %cond3A_198 : i32
      scf.if %cond3A_199 {
        %sub3A_209 = arith.constant 2 : i32
        %sub3A_210 = arith.subi %add3A_182, %sub3A_209 : i32
        %dma_wait3A_211 = arith.constant 0 : i32
        %dma_wait3A_212 = tpu.memref_slice %arg8[%sub3A_210, %dma_wait3A_211] : memref<88x128xi32, #tpu.memory_space<vmem>> -> memref<1x128xi32, #tpu.memory_space<vmem>>
        %dma_wait3A_213 = tpu.memref_squeeze %dma_wait3A_212 : memref<1x128xi32, #tpu.memory_space<vmem>> -> memref<128xi32, #tpu.memory_space<vmem>>
        %dma_wait3A_214 = arith.constant 0 : i32
        %dma_wait3A_215 = arith.constant 0 : i32
        %dma_wait3A_216 = tpu.memref_slice %arg13[%dma_wait3A_214, %dma_wait3A_215] : memref<10240x32xf32, #tpu.memory_space<vmem_shared>> -> memref<10240x32xf32, #tpu.memory_space<vmem_shared>>
        tpu.wait_indirect_dma semaphore(%arg20 : memref<!tpu.dma_semaphore, #tpu.memory_space<semaphore_mem>>) src(%arg10 : memref<128x32xf32, #tpu.memory_space<vmem>>) dst(%dma_wait3A_216 : memref<10240x32xf32, #tpu.memory_space<vmem_shared>>)
      } else {
      }
      %add3A_200 = arith.constant 2 : i32
      %add3A_201 = arith.addi %add3A_182, %add3A_200 : i32
      %rem3A_202 = arith.remsi %add3A_201, %select_n3A_2 : i32
      %dma_start3A_203 = arith.constant 0 : i32
      %dma_start3A_204 = tpu.memref_slice %arg7[%rem3A_202, %dma_start3A_203] : memref<88x128xi32, #tpu.memory_space<vmem>> -> memref<1x128xi32, #tpu.memory_space<vmem>>
      %dma_start3A_205 = tpu.memref_squeeze %dma_start3A_204 : memref<1x128xi32, #tpu.memory_space<vmem>> -> memref<128xi32, #tpu.memory_space<vmem>>
      %dma_start3A_206 = arith.constant 0 : i32
      %dma_start3A_207 = arith.constant 0 : i32
      %dma_start3A_208 = tpu.memref_slice %arg14[%dma_start3A_206, %dma_start3A_207] : memref<10240x32xf32, #tpu.memory_space<vmem_shared>> -> memref<10240x32xf32, #tpu.memory_space<vmem_shared>>
      tpu.enqueue_indirect_dma source(%dma_start3A_208 : memref<10240x32xf32, #tpu.memory_space<vmem_shared>>) target(%arg10 : memref<128x32xf32, #tpu.memory_space<vmem>>) offsets(%dma_start3A_205 : memref<128xi32, #tpu.memory_space<vmem>>) semaphore(%arg16 : memref<!tpu.dma_semaphore, #tpu.memory_space<semaphore_mem>>)
    }
    %while3A_56 = arith.constant 1 : i32
    scf.for %while3A_91 = %while3A_54 to %while3A_50 step %while3A_56  : i32 {
      %mul3A_92 = arith.constant 4 : i32
      %mul3A_93 = arith.muli %mul3A_92, %while3A_91 : i32
      %add3A_94 = arith.constant 0 : i32
      %add3A_95 = arith.addi %mul3A_93, %add3A_94 : i32
      %dma_wait3A_96 = arith.constant 0 : i32
      %dma_wait3A_97 = tpu.memref_slice %arg7[%add3A_95, %dma_wait3A_96] : memref<88x128xi32, #tpu.memory_space<vmem>> -> memref<1x128xi32, #tpu.memory_space<vmem>>
      %dma_wait3A_98 = tpu.memref_squeeze %dma_wait3A_97 : memref<1x128xi32, #tpu.memory_space<vmem>> -> memref<128xi32, #tpu.memory_space<vmem>>
      %dma_wait3A_99 = arith.constant 0 : i32
      %dma_wait3A_100 = arith.constant 0 : i32
      %dma_wait3A_101 = tpu.memref_slice %arg14[%dma_wait3A_99, %dma_wait3A_100] : memref<10240x32xf32, #tpu.memory_space<vmem_shared>> -> memref<10240x32xf32, #tpu.memory_space<vmem_shared>>
      tpu.wait_indirect_dma semaphore(%arg15 : memref<!tpu.dma_semaphore, #tpu.memory_space<semaphore_mem>>) src(%dma_wait3A_101 : memref<10240x32xf32, #tpu.memory_space<vmem_shared>>) dst(%arg9 : memref<128x32xf32, #tpu.memory_space<vmem>>)
      %dma_start3A_102 = arith.constant 0 : i32
      %dma_start3A_103 = tpu.memref_slice %arg8[%add3A_95, %dma_start3A_102] : memref<88x128xi32, #tpu.memory_space<vmem>> -> memref<1x128xi32, #tpu.memory_space<vmem>>
      %dma_start3A_104 = tpu.memref_squeeze %dma_start3A_103 : memref<1x128xi32, #tpu.memory_space<vmem>> -> memref<128xi32, #tpu.memory_space<vmem>>
      %dma_start3A_105 = arith.constant 0 : i32
      %dma_start3A_106 = arith.constant 0 : i32
      %dma_start3A_107 = tpu.memref_slice %arg13[%dma_start3A_105, %dma_start3A_106] : memref<10240x32xf32, #tpu.memory_space<vmem_shared>> -> memref<10240x32xf32, #tpu.memory_space<vmem_shared>>
      tpu.enqueue_indirect_dma source(%arg9 : memref<128x32xf32, #tpu.memory_space<vmem>>) target(%dma_start3A_107 : memref<10240x32xf32, #tpu.memory_space<vmem_shared>>) offsets(%dma_start3A_104 : memref<128xi32, #tpu.memory_space<vmem>>) semaphore(%arg19 : memref<!tpu.dma_semaphore, #tpu.memory_space<semaphore_mem>>) {add = true}
      %ge3A = arith.constant 2 : i32
      %ge3A_108 = arith.cmpi sge, %add3A_95, %ge3A : i32
      %convert_element_type3A = arith.extui %ge3A_108 : i1 to i32
      %cond3A = arith.constant 0 : i32
      %cond3A_109 = arith.cmpi ne, %convert_element_type3A, %cond3A : i32
      scf.if %cond3A_109 {
        %sub3A_209 = arith.constant 2 : i32
        %sub3A_210 = arith.subi %add3A_95, %sub3A_209 : i32
        %dma_wait3A_211 = arith.constant 0 : i32
        %dma_wait3A_212 = tpu.memref_slice %arg8[%sub3A_210, %dma_wait3A_211] : memref<88x128xi32, #tpu.memory_space<vmem>> -> memref<1x128xi32, #tpu.memory_space<vmem>>
        %dma_wait3A_213 = tpu.memref_squeeze %dma_wait3A_212 : memref<1x128xi32, #tpu.memory_space<vmem>> -> memref<128xi32, #tpu.memory_space<vmem>>
        %dma_wait3A_214 = arith.constant 0 : i32
        %dma_wait3A_215 = arith.constant 0 : i32
        %dma_wait3A_216 = tpu.memref_slice %arg13[%dma_wait3A_214, %dma_wait3A_215] : memref<10240x32xf32, #tpu.memory_space<vmem_shared>> -> memref<10240x32xf32, #tpu.memory_space<vmem_shared>>
        tpu.wait_indirect_dma semaphore(%arg21 : memref<!tpu.dma_semaphore, #tpu.memory_space<semaphore_mem>>) src(%arg11 : memref<128x32xf32, #tpu.memory_space<vmem>>) dst(%dma_wait3A_216 : memref<10240x32xf32, #tpu.memory_space<vmem_shared>>)
      } else {
      }
      %add3A_110 = arith.constant 2 : i32
      %add3A_111 = arith.addi %add3A_95, %add3A_110 : i32
      %rem3A_112 = arith.remsi %add3A_111, %select_n3A_2 : i32
      %dma_start3A_113 = arith.constant 0 : i32
      %dma_start3A_114 = tpu.memref_slice %arg7[%rem3A_112, %dma_start3A_113] : memref<88x128xi32, #tpu.memory_space<vmem>> -> memref<1x128xi32, #tpu.memory_space<vmem>>
      %dma_start3A_115 = tpu.memref_squeeze %dma_start3A_114 : memref<1x128xi32, #tpu.memory_space<vmem>> -> memref<128xi32, #tpu.memory_space<vmem>>
      %dma_start3A_116 = arith.constant 0 : i32
      %dma_start3A_117 = arith.constant 0 : i32
      %dma_start3A_118 = tpu.memref_slice %arg14[%dma_start3A_116, %dma_start3A_117] : memref<10240x32xf32, #tpu.memory_space<vmem_shared>> -> memref<10240x32xf32, #tpu.memory_space<vmem_shared>>
      tpu.enqueue_indirect_dma source(%dma_start3A_118 : memref<10240x32xf32, #tpu.memory_space<vmem_shared>>) target(%arg11 : memref<128x32xf32, #tpu.memory_space<vmem>>) offsets(%dma_start3A_115 : memref<128xi32, #tpu.memory_space<vmem>>) semaphore(%arg17 : memref<!tpu.dma_semaphore, #tpu.memory_space<semaphore_mem>>)
      %mul3A_119 = arith.constant 4 : i32
      %mul3A_120 = arith.muli %mul3A_119, %while3A_91 : i32
      %add3A_121 = arith.constant 1 : i32
      %add3A_122 = arith.addi %mul3A_120, %add3A_121 : i32
      %dma_wait3A_123 = arith.constant 0 : i32
      %dma_wait3A_124 = tpu.memref_slice %arg7[%add3A_122, %dma_wait3A_123] : memref<88x128xi32, #tpu.memory_space<vmem>> -> memref<1x128xi32, #tpu.memory_space<vmem>>
      %dma_wait3A_125 = tpu.memref_squeeze %dma_wait3A_124 : memref<1x128xi32, #tpu.memory_space<vmem>> -> memref<128xi32, #tpu.memory_space<vmem>>
      %dma_wait3A_126 = arith.constant 0 : i32
      %dma_wait3A_127 = arith.constant 0 : i32
      %dma_wait3A_128 = tpu.memref_slice %arg14[%dma_wait3A_126, %dma_wait3A_127] : memref<10240x32xf32, #tpu.memory_space<vmem_shared>> -> memref<10240x32xf32, #tpu.memory_space<vmem_shared>>
      tpu.wait_indirect_dma semaphore(%arg16 : memref<!tpu.dma_semaphore, #tpu.memory_space<semaphore_mem>>) src(%dma_wait3A_128 : memref<10240x32xf32, #tpu.memory_space<vmem_shared>>) dst(%arg10 : memref<128x32xf32, #tpu.memory_space<vmem>>)
      %dma_start3A_129 = arith.constant 0 : i32
      %dma_start3A_130 = tpu.memref_slice %arg8[%add3A_122, %dma_start3A_129] : memref<88x128xi32, #tpu.memory_space<vmem>> -> memref<1x128xi32, #tpu.memory_space<vmem>>
      %dma_start3A_131 = tpu.memref_squeeze %dma_start3A_130 : memref<1x128xi32, #tpu.memory_space<vmem>> -> memref<128xi32, #tpu.memory_space<vmem>>
      %dma_start3A_132 = arith.constant 0 : i32
      %dma_start3A_133 = arith.constant 0 : i32
      %dma_start3A_134 = tpu.memref_slice %arg13[%dma_start3A_132, %dma_start3A_133] : memref<10240x32xf32, #tpu.memory_space<vmem_shared>> -> memref<10240x32xf32, #tpu.memory_space<vmem_shared>>
      tpu.enqueue_indirect_dma source(%arg10 : memref<128x32xf32, #tpu.memory_space<vmem>>) target(%dma_start3A_134 : memref<10240x32xf32, #tpu.memory_space<vmem_shared>>) offsets(%dma_start3A_131 : memref<128xi32, #tpu.memory_space<vmem>>) semaphore(%arg20 : memref<!tpu.dma_semaphore, #tpu.memory_space<semaphore_mem>>) {add = true}
      %ge3A_135 = arith.constant 2 : i32
      %ge3A_136 = arith.cmpi sge, %add3A_122, %ge3A_135 : i32
      %convert_element_type3A_137 = arith.extui %ge3A_136 : i1 to i32
      %cond3A_138 = arith.constant 0 : i32
      %cond3A_139 = arith.cmpi ne, %convert_element_type3A_137, %cond3A_138 : i32
      scf.if %cond3A_139 {
        %sub3A_209 = arith.constant 2 : i32
        %sub3A_210 = arith.subi %add3A_122, %sub3A_209 : i32
        %dma_wait3A_211 = arith.constant 0 : i32
        %dma_wait3A_212 = tpu.memref_slice %arg8[%sub3A_210, %dma_wait3A_211] : memref<88x128xi32, #tpu.memory_space<vmem>> -> memref<1x128xi32, #tpu.memory_space<vmem>>
        %dma_wait3A_213 = tpu.memref_squeeze %dma_wait3A_212 : memref<1x128xi32, #tpu.memory_space<vmem>> -> memref<128xi32, #tpu.memory_space<vmem>>
        %dma_wait3A_214 = arith.constant 0 : i32
        %dma_wait3A_215 = arith.constant 0 : i32
        %dma_wait3A_216 = tpu.memref_slice %arg13[%dma_wait3A_214, %dma_wait3A_215] : memref<10240x32xf32, #tpu.memory_space<vmem_shared>> -> memref<10240x32xf32, #tpu.memory_space<vmem_shared>>
        tpu.wait_indirect_dma semaphore(%arg22 : memref<!tpu.dma_semaphore, #tpu.memory_space<semaphore_mem>>) src(%arg12 : memref<128x32xf32, #tpu.memory_space<vmem>>) dst(%dma_wait3A_216 : memref<10240x32xf32, #tpu.memory_space<vmem_shared>>)
      } else {
      }
      %add3A_140 = arith.constant 2 : i32
      %add3A_141 = arith.addi %add3A_122, %add3A_140 : i32
      %rem3A_142 = arith.remsi %add3A_141, %select_n3A_2 : i32
      %dma_start3A_143 = arith.constant 0 : i32
      %dma_start3A_144 = tpu.memref_slice %arg7[%rem3A_142, %dma_start3A_143] : memref<88x128xi32, #tpu.memory_space<vmem>> -> memref<1x128xi32, #tpu.memory_space<vmem>>
      %dma_start3A_145 = tpu.memref_squeeze %dma_start3A_144 : memref<1x128xi32, #tpu.memory_space<vmem>> -> memref<128xi32, #tpu.memory_space<vmem>>
      %dma_start3A_146 = arith.constant 0 : i32
      %dma_start3A_147 = arith.constant 0 : i32
      %dma_start3A_148 = tpu.memref_slice %arg14[%dma_start3A_146, %dma_start3A_147] : memref<10240x32xf32, #tpu.memory_space<vmem_shared>> -> memref<10240x32xf32, #tpu.memory_space<vmem_shared>>
      tpu.enqueue_indirect_dma source(%dma_start3A_148 : memref<10240x32xf32, #tpu.memory_space<vmem_shared>>) target(%arg12 : memref<128x32xf32, #tpu.memory_space<vmem>>) offsets(%dma_start3A_145 : memref<128xi32, #tpu.memory_space<vmem>>) semaphore(%arg18 : memref<!tpu.dma_semaphore, #tpu.memory_space<semaphore_mem>>)
      %mul3A_149 = arith.constant 4 : i32
      %mul3A_150 = arith.muli %mul3A_149, %while3A_91 : i32
      %add3A_151 = arith.constant 2 : i32
      %add3A_152 = arith.addi %mul3A_150, %add3A_151 : i32
      %dma_wait3A_153 = arith.constant 0 : i32
      %dma_wait3A_154 = tpu.memref_slice %arg7[%add3A_152, %dma_wait3A_153] : memref<88x128xi32, #tpu.memory_space<vmem>> -> memref<1x128xi32, #tpu.memory_space<vmem>>
      %dma_wait3A_155 = tpu.memref_squeeze %dma_wait3A_154 : memref<1x128xi32, #tpu.memory_space<vmem>> -> memref<128xi32, #tpu.memory_space<vmem>>
      %dma_wait3A_156 = arith.constant 0 : i32
      %dma_wait3A_157 = arith.constant 0 : i32
      %dma_wait3A_158 = tpu.memref_slice %arg14[%dma_wait3A_156, %dma_wait3A_157] : memref<10240x32xf32, #tpu.memory_space<vmem_shared>> -> memref<10240x32xf32, #tpu.memory_space<vmem_shared>>
      tpu.wait_indirect_dma semaphore(%arg17 : memref<!tpu.dma_semaphore, #tpu.memory_space<semaphore_mem>>) src(%dma_wait3A_158 : memref<10240x32xf32, #tpu.memory_space<vmem_shared>>) dst(%arg11 : memref<128x32xf32, #tpu.memory_space<vmem>>)
      %dma_start3A_159 = arith.constant 0 : i32
      %dma_start3A_160 = tpu.memref_slice %arg8[%add3A_152, %dma_start3A_159] : memref<88x128xi32, #tpu.memory_space<vmem>> -> memref<1x128xi32, #tpu.memory_space<vmem>>
      %dma_start3A_161 = tpu.memref_squeeze %dma_start3A_160 : memref<1x128xi32, #tpu.memory_space<vmem>> -> memref<128xi32, #tpu.memory_space<vmem>>
      %dma_start3A_162 = arith.constant 0 : i32
      %dma_start3A_163 = arith.constant 0 : i32
      %dma_start3A_164 = tpu.memref_slice %arg13[%dma_start3A_162, %dma_start3A_163] : memref<10240x32xf32, #tpu.memory_space<vmem_shared>> -> memref<10240x32xf32, #tpu.memory_space<vmem_shared>>
      tpu.enqueue_indirect_dma source(%arg11 : memref<128x32xf32, #tpu.memory_space<vmem>>) target(%dma_start3A_164 : memref<10240x32xf32, #tpu.memory_space<vmem_shared>>) offsets(%dma_start3A_161 : memref<128xi32, #tpu.memory_space<vmem>>) semaphore(%arg21 : memref<!tpu.dma_semaphore, #tpu.memory_space<semaphore_mem>>) {add = true}
      %ge3A_165 = arith.constant 2 : i32
      %ge3A_166 = arith.cmpi sge, %add3A_152, %ge3A_165 : i32
      %convert_element_type3A_167 = arith.extui %ge3A_166 : i1 to i32
      %cond3A_168 = arith.constant 0 : i32
      %cond3A_169 = arith.cmpi ne, %convert_element_type3A_167, %cond3A_168 : i32
      scf.if %cond3A_169 {
        %sub3A_209 = arith.constant 2 : i32
        %sub3A_210 = arith.subi %add3A_152, %sub3A_209 : i32
        %dma_wait3A_211 = arith.constant 0 : i32
        %dma_wait3A_212 = tpu.memref_slice %arg8[%sub3A_210, %dma_wait3A_211] : memref<88x128xi32, #tpu.memory_space<vmem>> -> memref<1x128xi32, #tpu.memory_space<vmem>>
        %dma_wait3A_213 = tpu.memref_squeeze %dma_wait3A_212 : memref<1x128xi32, #tpu.memory_space<vmem>> -> memref<128xi32, #tpu.memory_space<vmem>>
        %dma_wait3A_214 = arith.constant 0 : i32
        %dma_wait3A_215 = arith.constant 0 : i32
        %dma_wait3A_216 = tpu.memref_slice %arg13[%dma_wait3A_214, %dma_wait3A_215] : memref<10240x32xf32, #tpu.memory_space<vmem_shared>> -> memref<10240x32xf32, #tpu.memory_space<vmem_shared>>
        tpu.wait_indirect_dma semaphore(%arg19 : memref<!tpu.dma_semaphore, #tpu.memory_space<semaphore_mem>>) src(%arg9 : memref<128x32xf32, #tpu.memory_space<vmem>>) dst(%dma_wait3A_216 : memref<10240x32xf32, #tpu.memory_space<vmem_shared>>)
      } else {
      }
      %add3A_170 = arith.constant 2 : i32
      %add3A_171 = arith.addi %add3A_152, %add3A_170 : i32
      %rem3A_172 = arith.remsi %add3A_171, %select_n3A_2 : i32
      %dma_start3A_173 = arith.constant 0 : i32
      %dma_start3A_174 = tpu.memref_slice %arg7[%rem3A_172, %dma_start3A_173] : memref<88x128xi32, #tpu.memory_space<vmem>> -> memref<1x128xi32, #tpu.memory_space<vmem>>
      %dma_start3A_175 = tpu.memref_squeeze %dma_start3A_174 : memref<1x128xi32, #tpu.memory_space<vmem>> -> memref<128xi32, #tpu.memory_space<vmem>>
      %dma_start3A_176 = arith.constant 0 : i32
      %dma_start3A_177 = arith.constant 0 : i32
      %dma_start3A_178 = tpu.memref_slice %arg14[%dma_start3A_176, %dma_start3A_177] : memref<10240x32xf32, #tpu.memory_space<vmem_shared>> -> memref<10240x32xf32, #tpu.memory_space<vmem_shared>>
      tpu.enqueue_indirect_dma source(%dma_start3A_178 : memref<10240x32xf32, #tpu.memory_space<vmem_shared>>) target(%arg9 : memref<128x32xf32, #tpu.memory_space<vmem>>) offsets(%dma_start3A_175 : memref<128xi32, #tpu.memory_space<vmem>>) semaphore(%arg15 : memref<!tpu.dma_semaphore, #tpu.memory_space<semaphore_mem>>)
      %mul3A_179 = arith.constant 4 : i32
      %mul3A_180 = arith.muli %mul3A_179, %while3A_91 : i32
      %add3A_181 = arith.constant 3 : i32
      %add3A_182 = arith.addi %mul3A_180, %add3A_181 : i32
      %dma_wait3A_183 = arith.constant 0 : i32
      %dma_wait3A_184 = tpu.memref_slice %arg7[%add3A_182, %dma_wait3A_183] : memref<88x128xi32, #tpu.memory_space<vmem>> -> memref<1x128xi32, #tpu.memory_space<vmem>>
      %dma_wait3A_185 = tpu.memref_squeeze %dma_wait3A_184 : memref<1x128xi32, #tpu.memory_space<vmem>> -> memref<128xi32, #tpu.memory_space<vmem>>
      %dma_wait3A_186 = arith.constant 0 : i32
      %dma_wait3A_187 = arith.constant 0 : i32
      %dma_wait3A_188 = tpu.memref_slice %arg14[%dma_wait3A_186, %dma_wait3A_187] : memref<10240x32xf32, #tpu.memory_space<vmem_shared>> -> memref<10240x32xf32, #tpu.memory_space<vmem_shared>>
      tpu.wait_indirect_dma semaphore(%arg18 : memref<!tpu.dma_semaphore, #tpu.memory_space<semaphore_mem>>) src(%dma_wait3A_188 : memref<10240x32xf32, #tpu.memory_space<vmem_shared>>) dst(%arg12 : memref<128x32xf32, #tpu.memory_space<vmem>>)
      %dma_start3A_189 = arith.constant 0 : i32
      %dma_start3A_190 = tpu.memref_slice %arg8[%add3A_182, %dma_start3A_189] : memref<88x128xi32, #tpu.memory_space<vmem>> -> memref<1x128xi32, #tpu.memory_space<vmem>>
      %dma_start3A_191 = tpu.memref_squeeze %dma_start3A_190 : memref<1x128xi32, #tpu.memory_space<vmem>> -> memref<128xi32, #tpu.memory_space<vmem>>
      %dma_start3A_192 = arith.constant 0 : i32
      %dma_start3A_193 = arith.constant 0 : i32
      %dma_start3A_194 = tpu.memref_slice %arg13[%dma_start3A_192, %dma_start3A_193] : memref<10240x32xf32, #tpu.memory_space<vmem_shared>> -> memref<10240x32xf32, #tpu.memory_space<vmem_shared>>
      tpu.enqueue_indirect_dma source(%arg12 : memref<128x32xf32, #tpu.memory_space<vmem>>) target(%dma_start3A_194 : memref<10240x32xf32, #tpu.memory_space<vmem_shared>>) offsets(%dma_start3A_191 : memref<128xi32, #tpu.memory_space<vmem>>) semaphore(%arg22 : memref<!tpu.dma_semaphore, #tpu.memory_space<semaphore_mem>>) {add = true}
      %ge3A_195 = arith.constant 2 : i32
      %ge3A_196 = arith.cmpi sge, %add3A_182, %ge3A_195 : i32
      %convert_element_type3A_197 = arith.extui %ge3A_196 : i1 to i32
      %cond3A_198 = arith.constant 0 : i32
      %cond3A_199 = arith.cmpi ne, %convert_element_type3A_197, %cond3A_198 : i32
      scf.if %cond3A_199 {
        %sub3A_209 = arith.constant 2 : i32
        %sub3A_210 = arith.subi %add3A_182, %sub3A_209 : i32
        %dma_wait3A_211 = arith.constant 0 : i32
        %dma_wait3A_212 = tpu.memref_slice %arg8[%sub3A_210, %dma_wait3A_211] : memref<88x128xi32, #tpu.memory_space<vmem>> -> memref<1x128xi32, #tpu.memory_space<vmem>>
        %dma_wait3A_213 = tpu.memref_squeeze %dma_wait3A_212 : memref<1x128xi32, #tpu.memory_space<vmem>> -> memref<128xi32, #tpu.memory_space<vmem>>
        %dma_wait3A_214 = arith.constant 0 : i32
        %dma_wait3A_215 = arith.constant 0 : i32
        %dma_wait3A_216 = tpu.memref_slice %arg13[%dma_wait3A_214, %dma_wait3A_215] : memref<10240x32xf32, #tpu.memory_space<vmem_shared>> -> memref<10240x32xf32, #tpu.memory_space<vmem_shared>>
        tpu.wait_indirect_dma semaphore(%arg20 : memref<!tpu.dma_semaphore, #tpu.memory_space<semaphore_mem>>) src(%arg10 : memref<128x32xf32, #tpu.memory_space<vmem>>) dst(%dma_wait3A_216 : memref<10240x32xf32, #tpu.memory_space<vmem_shared>>)
      } else {
      }
      %add3A_200 = arith.constant 2 : i32
      %add3A_201 = arith.addi %add3A_182, %add3A_200 : i32
      %rem3A_202 = arith.remsi %add3A_201, %select_n3A_2 : i32
      %dma_start3A_203 = arith.constant 0 : i32
      %dma_start3A_204 = tpu.memref_slice %arg7[%rem3A_202, %dma_start3A_203] : memref<88x128xi32, #tpu.memory_space<vmem>> -> memref<1x128xi32, #tpu.memory_space<vmem>>
      %dma_start3A_205 = tpu.memref_squeeze %dma_start3A_204 : memref<1x128xi32, #tpu.memory_space<vmem>> -> memref<128xi32, #tpu.memory_space<vmem>>
      %dma_start3A_206 = arith.constant 0 : i32
      %dma_start3A_207 = arith.constant 0 : i32
      %dma_start3A_208 = tpu.memref_slice %arg14[%dma_start3A_206, %dma_start3A_207] : memref<10240x32xf32, #tpu.memory_space<vmem_shared>> -> memref<10240x32xf32, #tpu.memory_space<vmem_shared>>
      tpu.enqueue_indirect_dma source(%dma_start3A_208 : memref<10240x32xf32, #tpu.memory_space<vmem_shared>>) target(%arg10 : memref<128x32xf32, #tpu.memory_space<vmem>>) offsets(%dma_start3A_205 : memref<128xi32, #tpu.memory_space<vmem>>) semaphore(%arg16 : memref<!tpu.dma_semaphore, #tpu.memory_space<semaphore_mem>>)
    }
    %dma_wait3A = arith.constant 0 : i32
    %dma_wait3A_57 = arith.constant 0 : i32
    %dma_wait3A_58 = tpu.memref_slice %arg7[%dma_wait3A, %dma_wait3A_57] : memref<88x128xi32, #tpu.memory_space<vmem>> -> memref<1x128xi32, #tpu.memory_space<vmem>>
    %dma_wait3A_59 = tpu.memref_squeeze %dma_wait3A_58 : memref<1x128xi32, #tpu.memory_space<vmem>> -> memref<128xi32, #tpu.memory_space<vmem>>
    %dma_wait3A_60 = arith.constant 0 : i32
    %dma_wait3A_61 = arith.constant 0 : i32
    %dma_wait3A_62 = tpu.memref_slice %arg14[%dma_wait3A_60, %dma_wait3A_61] : memref<10240x32xf32, #tpu.memory_space<vmem_shared>> -> memref<10240x32xf32, #tpu.memory_space<vmem_shared>>
    tpu.wait_indirect_dma semaphore(%arg15 : memref<!tpu.dma_semaphore, #tpu.memory_space<semaphore_mem>>) src(%dma_wait3A_62 : memref<10240x32xf32, #tpu.memory_space<vmem_shared>>) dst(%arg9 : memref<128x32xf32, #tpu.memory_space<vmem>>)
    %dma_wait3A_63 = arith.constant 1 : i32
    %dma_wait3A_64 = arith.constant 0 : i32
    %dma_wait3A_65 = tpu.memref_slice %arg7[%dma_wait3A_63, %dma_wait3A_64] : memref<88x128xi32, #tpu.memory_space<vmem>> -> memref<1x128xi32, #tpu.memory_space<vmem>>
    %dma_wait3A_66 = tpu.memref_squeeze %dma_wait3A_65 : memref<1x128xi32, #tpu.memory_space<vmem>> -> memref<128xi32, #tpu.memory_space<vmem>>
    %dma_wait3A_67 = arith.constant 0 : i32
    %dma_wait3A_68 = arith.constant 0 : i32
    %dma_wait3A_69 = tpu.memref_slice %arg14[%dma_wait3A_67, %dma_wait3A_68] : memref<10240x32xf32, #tpu.memory_space<vmem_shared>> -> memref<10240x32xf32, #tpu.memory_space<vmem_shared>>
    tpu.wait_indirect_dma semaphore(%arg16 : memref<!tpu.dma_semaphore, #tpu.memory_space<semaphore_mem>>) src(%dma_wait3A_69 : memref<10240x32xf32, #tpu.memory_space<vmem_shared>>) dst(%arg10 : memref<128x32xf32, #tpu.memory_space<vmem>>)
    %sub3A_70 = arith.constant 2 : i32
    %sub3A_71 = arith.subi %select_n3A_2, %sub3A_70 : i32
    %dma_wait3A_72 = arith.constant 0 : i32
    %dma_wait3A_73 = tpu.memref_slice %arg8[%sub3A_71, %dma_wait3A_72] : memref<88x128xi32, #tpu.memory_space<vmem>> -> memref<1x128xi32, #tpu.memory_space<vmem>>
    %dma_wait3A_74 = tpu.memref_squeeze %dma_wait3A_73 : memref<1x128xi32, #tpu.memory_space<vmem>> -> memref<128xi32, #tpu.memory_space<vmem>>
    %dma_wait3A_75 = arith.constant 0 : i32
    %dma_wait3A_76 = arith.constant 0 : i32
    %dma_wait3A_77 = tpu.memref_slice %arg13[%dma_wait3A_75, %dma_wait3A_76] : memref<10240x32xf32, #tpu.memory_space<vmem_shared>> -> memref<10240x32xf32, #tpu.memory_space<vmem_shared>>
    tpu.wait_indirect_dma semaphore(%arg21 : memref<!tpu.dma_semaphore, #tpu.memory_space<semaphore_mem>>) src(%arg11 : memref<128x32xf32, #tpu.memory_space<vmem>>) dst(%dma_wait3A_77 : memref<10240x32xf32, #tpu.memory_space<vmem_shared>>)
    %sub3A_78 = arith.constant 1 : i32
    %sub3A_79 = arith.subi %select_n3A_2, %sub3A_78 : i32
    %dma_wait3A_80 = arith.constant 0 : i32
    %dma_wait3A_81 = tpu.memref_slice %arg8[%sub3A_79, %dma_wait3A_80] : memref<88x128xi32, #tpu.memory_space<vmem>> -> memref<1x128xi32, #tpu.memory_space<vmem>>
    %dma_wait3A_82 = tpu.memref_squeeze %dma_wait3A_81 : memref<1x128xi32, #tpu.memory_space<vmem>> -> memref<128xi32, #tpu.memory_space<vmem>>
    %dma_wait3A_83 = arith.constant 0 : i32
    %dma_wait3A_84 = arith.constant 0 : i32
    %dma_wait3A_85 = tpu.memref_slice %arg13[%dma_wait3A_83, %dma_wait3A_84] : memref<10240x32xf32, #tpu.memory_space<vmem_shared>> -> memref<10240x32xf32, #tpu.memory_space<vmem_shared>>
    tpu.wait_indirect_dma semaphore(%arg22 : memref<!tpu.dma_semaphore, #tpu.memory_space<semaphore_mem>>) src(%arg12 : memref<128x32xf32, #tpu.memory_space<vmem>>) dst(%dma_wait3A_85 : memref<10240x32xf32, #tpu.memory_space<vmem_shared>>)
    %barrier3A_86 = arith.constant 0 : index
    tpu.barrier barrier_id(%barrier3A_86)
    %mul3A_87 = arith.constant 640 : i32
    %mul3A_88 = arith.muli %arg1, %mul3A_87 : i32
    %mul3A_89 = arith.constant 640 : i32
    %mul3A_90 = arith.muli %arg1, %mul3A_89 : i32
    "tpu.region"() ({
      %run_scoped3A = tpu.sem_alloc : memref<!tpu.dma_semaphore, #tpu.memory_space<semaphore_mem>>
      %dma_start3A_91 = arith.constant 0 : i32
      %dma_start3A_92 = tpu.memref_slice %arg6[%arg0, %mul3A_90, %dma_start3A_91] : memref<2x10240x32xf32, #tpu.memory_space<hbm>> -> memref<1x640x32xf32, #tpu.memory_space<hbm>>
      %dma_start3A_93 = tpu.memref_squeeze %dma_start3A_92 : memref<1x640x32xf32, #tpu.memory_space<hbm>> -> memref<640x32xf32, #tpu.memory_space<hbm>>
      %dma_start3A_94 = arith.constant 0 : i32
      %dma_start3A_95 = tpu.memref_slice %arg13[%mul3A_88, %dma_start3A_94] : memref<10240x32xf32, #tpu.memory_space<vmem_shared>> -> memref<640x32xf32, #tpu.memory_space<vmem_shared>>
      tpu.enqueue_dma source(%dma_start3A_95 : memref<640x32xf32, #tpu.memory_space<vmem_shared>>) target(%dma_start3A_93 : memref<640x32xf32, #tpu.memory_space<hbm>>) target_semaphore(%run_scoped3A : memref<!tpu.dma_semaphore, #tpu.memory_space<semaphore_mem>>)
      %dma_wait3A_96 = arith.constant 0 : i32
      %dma_wait3A_97 = tpu.memref_slice %arg6[%arg0, %mul3A_90, %dma_wait3A_96] : memref<2x10240x32xf32, #tpu.memory_space<hbm>> -> memref<1x640x32xf32, #tpu.memory_space<hbm>>
      %dma_wait3A_98 = tpu.memref_squeeze %dma_wait3A_97 : memref<1x640x32xf32, #tpu.memory_space<hbm>> -> memref<640x32xf32, #tpu.memory_space<hbm>>
      %dma_wait3A_99 = arith.constant 0 : i32
      %dma_wait3A_100 = tpu.memref_slice %arg13[%mul3A_88, %dma_wait3A_99] : memref<10240x32xf32, #tpu.memory_space<vmem_shared>> -> memref<640x32xf32, #tpu.memory_space<vmem_shared>>
      tpu.wait_dma2 semaphore(%run_scoped3A : memref<!tpu.dma_semaphore, #tpu.memory_space<semaphore_mem>>) src(%dma_wait3A_100 : memref<640x32xf32, #tpu.memory_space<vmem_shared>>) dst(%dma_wait3A_98 : memref<640x32xf32, #tpu.memory_space<hbm>>)
      tpu.yield
    }) : () -> ()
    return
  }
}

module attributes {stable_mosaic.version = 14 : i64} {
  func.func @_tc_h_body(%arg0: memref<10000x128xf32, #tpu.memory_space<vmem>>, %arg1: memref<128x32xf32, #tpu.memory_space<vmem>>, %arg2: memref<10240x32xf32, #tpu.memory_space<vmem>>) attributes {dimension_semantics = [], scalar_prefetch = 0 : i64, scratch_operands = 0 : i64, tpu.core_type = #tpu.core_type<tc>} {
    %get3A = arith.constant 0 : index
    %get3A_0 = arith.constant 0 : index
    %get3A_1 = vector.load %arg0[%get3A, %get3A_0] : memref<10000x128xf32, #tpu.memory_space<vmem>>, vector<10000x128xf32>
    %get3A_2 = arith.constant 0 : index
    %get3A_3 = arith.constant 0 : index
    %get3A_4 = vector.load %arg1[%get3A_2, %get3A_3] : memref<128x32xf32, #tpu.memory_space<vmem>>, vector<128x32xf32>
    %dot_general3A = arith.constant dense<0.000000e+00> : vector<10000x32xf32>
    %dot_general3A_5 = tpu.matmul %get3A_1, %get3A_4, %dot_general3A {dimension_numbers = #tpu.dot_dimension_numbers<[1], [0], [0], [1], [0, 0, 1, 1], [], []>, transpose_lhs_hint = false} : vector<10000x128xf32>, vector<128x32xf32>, vector<10000x32xf32> -> vector<10000x32xf32>
    %broadcast_in_dim3A = arith.constant 0.000000e+00 : f32
    %broadcast_in_dim3A_6 = vector.broadcast %broadcast_in_dim3A : f32 to vector<240x32xf32>
    %concatenate3A = tpu.concatenate %dot_general3A_5, %broadcast_in_dim3A_6 in 0 : vector<10000x32xf32>, vector<240x32xf32> -> vector<10240x32xf32>
    %swap3A = arith.constant 0 : index
    %swap3A_7 = arith.constant 0 : index
    %swap3A_8 = vector.load %arg2[%swap3A, %swap3A_7] : memref<10240x32xf32, #tpu.memory_space<vmem>>, vector<10240x32xf32>
    tpu.vector_store %arg2[%swap3A, %swap3A_7], %concatenate3A {strides = array<i32>} : memref<10240x32xf32, #tpu.memory_space<vmem>>, vector<10240x32xf32>,
    return
  }
}

module attributes {stable_mosaic.version = 14 : i64} {
  func.func @_tc_g_body(%arg0: memref<10240x32xf32, #tpu.memory_space<vmem>>, %arg1: memref<2x10240xf32, #tpu.memory_space<vmem>>, %arg2: memref<10240x32xf32, #tpu.memory_space<vmem>>, %arg3: memref<10240x1xf32, #tpu.memory_space<vmem>>) attributes {dimension_semantics = [], scalar_prefetch = 0 : i64, scratch_operands = 0 : i64, tpu.core_type = #tpu.core_type<tc>} {
    %get3A = arith.constant 0 : index
    %get3A_0 = arith.constant 0 : index
    %get3A_1 = vector.load %arg1[%get3A, %get3A_0] : memref<2x10240xf32, #tpu.memory_space<vmem>>, vector<1x10240xf32>
    %get3A_2 = vector.shape_cast %get3A_1 : vector<1x10240xf32> to vector<10240xf32>
    %get3A_3 = arith.constant 1 : index
    %get3A_4 = arith.constant 0 : index
    %get3A_5 = vector.load %arg1[%get3A_3, %get3A_4] : memref<2x10240xf32, #tpu.memory_space<vmem>>, vector<1x10240xf32>
    %get3A_6 = vector.shape_cast %get3A_5 : vector<1x10240xf32> to vector<10240xf32>
    %add3A = arith.addf %get3A_2, %get3A_6 : vector<10240xf32>
    %add3A_7 = arith.constant 1.000000e+00 : f32
    %add3A_8 = vector.broadcast %add3A_7 : f32 to vector<10240xf32>
    %add3A_9 = arith.addf %add3A, %add3A_8 : vector<10240xf32>
    %rsqrt3A = math.rsqrt %add3A_9 : vector<10240xf32>
    %reshape3A = vector.shape_cast %rsqrt3A : vector<10240xf32> to vector<10240x1xf32>
    %get3A_10 = arith.constant 0 : index
    %get3A_11 = arith.constant 0 : index
    %get3A_12 = vector.load %arg0[%get3A_10, %get3A_11] : memref<10240x32xf32, #tpu.memory_space<vmem>>, vector<10240x32xf32>
    %mul3A = vector.broadcast %reshape3A : vector<10240x1xf32> to vector<10240x32xf32>
    %mul3A_13 = arith.mulf %get3A_12, %mul3A : vector<10240x32xf32>
    %swap3A = arith.constant 0 : index
    %swap3A_14 = arith.constant 0 : index
    %swap3A_15 = vector.load %arg2[%swap3A, %swap3A_14] : memref<10240x32xf32, #tpu.memory_space<vmem>>, vector<10240x32xf32>
    tpu.vector_store %arg2[%swap3A, %swap3A_14], %mul3A_13 {strides = array<i32>} : memref<10240x32xf32, #tpu.memory_space<vmem>>, vector<10240x32xf32>,
    %swap3A_16 = arith.constant 0 : index
    %swap3A_17 = arith.constant 0 : index
    %swap3A_18 = vector.load %arg3[%swap3A_16, %swap3A_17] : memref<10240x1xf32, #tpu.memory_space<vmem>>, vector<10240x1xf32>
    tpu.vector_store %arg3[%swap3A_16, %swap3A_17], %reshape3A {strides = array<i32>} : memref<10240x1xf32, #tpu.memory_space<vmem>>, vector<10240x1xf32>,
    return
  }
}

module attributes {stable_mosaic.version = 14 : i64} {
  func.func @_tc_head_body(%arg0: memref<10240x32xf32, #tpu.memory_space<vmem>>, %arg1: memref<2x10240x32xf32, #tpu.memory_space<vmem>>, %arg2: memref<10240x1xf32, #tpu.memory_space<vmem>>, %arg3: memref<32xf32, #tpu.memory_space<vmem>>, %arg4: memref<32x40xf32, #tpu.memory_space<vmem>>, %arg5: memref<40xf32, #tpu.memory_space<vmem>>, %arg6: memref<10000x40xf32, #tpu.memory_space<vmem>>) attributes {dimension_semantics = [], scalar_prefetch = 0 : i64, scratch_operands = 0 : i64, tpu.core_type = #tpu.core_type<tc>} {
    %get3A = arith.constant 0 : index
    %get3A_0 = arith.constant 0 : index
    %get3A_1 = arith.constant 0 : index
    %get3A_2 = vector.load %arg1[%get3A, %get3A_0, %get3A_1] : memref<2x10240x32xf32, #tpu.memory_space<vmem>>, vector<1x10240x32xf32>
    %get3A_3 = vector.shape_cast %get3A_2 : vector<1x10240x32xf32> to vector<10240x32xf32>
    %get3A_4 = arith.constant 1 : index
    %get3A_5 = arith.constant 0 : index
    %get3A_6 = arith.constant 0 : index
    %get3A_7 = vector.load %arg1[%get3A_4, %get3A_5, %get3A_6] : memref<2x10240x32xf32, #tpu.memory_space<vmem>>, vector<1x10240x32xf32>
    %get3A_8 = vector.shape_cast %get3A_7 : vector<1x10240x32xf32> to vector<10240x32xf32>
    %add3A = arith.addf %get3A_3, %get3A_8 : vector<10240x32xf32>
    %get3A_9 = arith.constant 0 : index
    %get3A_10 = arith.constant 0 : index
    %get3A_11 = vector.load %arg0[%get3A_9, %get3A_10] : memref<10240x32xf32, #tpu.memory_space<vmem>>, vector<10240x32xf32>
    %add3A_12 = arith.addf %add3A, %get3A_11 : vector<10240x32xf32>
    %get3A_13 = arith.constant 0 : index
    %get3A_14 = arith.constant 0 : index
    %get3A_15 = vector.load %arg2[%get3A_13, %get3A_14] : memref<10240x1xf32, #tpu.memory_space<vmem>>, vector<10240x1xf32>
    %mul3A = vector.broadcast %get3A_15 : vector<10240x1xf32> to vector<10240x32xf32>
    %mul3A_16 = arith.mulf %add3A_12, %mul3A : vector<10240x32xf32>
    %get3A_17 = arith.constant 0 : index
    %get3A_18 = vector.load %arg3[%get3A_17] : memref<32xf32, #tpu.memory_space<vmem>>, vector<32xf32>
    %broadcast_in_dim3A = vector.shape_cast %get3A_18 : vector<32xf32> to vector<1x32xf32>
    %add3A_19 = vector.broadcast %broadcast_in_dim3A : vector<1x32xf32> to vector<10240x32xf32>
    %add3A_20 = arith.addf %mul3A_16, %add3A_19 : vector<10240x32xf32>
    %max3A = arith.constant 0.000000e+00 : f32
    %max3A_21 = vector.broadcast %max3A : f32 to vector<10240x32xf32>
    %max3A_22 = arith.maximumf %add3A_20, %max3A_21 : vector<10240x32xf32>
    %get3A_23 = arith.constant 0 : index
    %get3A_24 = arith.constant 0 : index
    %get3A_25 = vector.load %arg4[%get3A_23, %get3A_24] : memref<32x40xf32, #tpu.memory_space<vmem>>, vector<32x40xf32>
    %dot_general3A = arith.constant dense<0.000000e+00> : vector<10240x40xf32>
    %dot_general3A_26 = tpu.matmul %max3A_22, %get3A_25, %dot_general3A {dimension_numbers = #tpu.dot_dimension_numbers<[1], [0], [0], [1], [0, 0, 1, 1], [], []>, transpose_lhs_hint = false} : vector<10240x32xf32>, vector<32x40xf32>, vector<10240x40xf32> -> vector<10240x40xf32>
    %get3A_27 = arith.constant 0 : index
    %get3A_28 = vector.load %arg5[%get3A_27] : memref<40xf32, #tpu.memory_space<vmem>>, vector<40xf32>
    %broadcast_in_dim3A_29 = vector.shape_cast %get3A_28 : vector<40xf32> to vector<1x40xf32>
    %add3A_30 = vector.broadcast %broadcast_in_dim3A_29 : vector<1x40xf32> to vector<10240x40xf32>
    %add3A_31 = arith.addf %dot_general3A_26, %add3A_30 : vector<10240x40xf32>
    %reduce_max3A = arith.constant dense<0xFF800000> : vector<10240xf32>
    %reduce_max3A_32 = vector.multi_reduction <maximumf>, %add3A_31, %reduce_max3A [1] : vector<10240x40xf32> to vector<10240xf32>
    %broadcast_in_dim3A_33 = vector.shape_cast %reduce_max3A_32 : vector<10240xf32> to vector<10240x1xf32>
    %sub3A = vector.broadcast %broadcast_in_dim3A_33 : vector<10240x1xf32> to vector<10240x40xf32>
    %sub3A_34 = arith.subf %add3A_31, %sub3A : vector<10240x40xf32>
    %exp3A = math.exp %sub3A_34 : vector<10240x40xf32>
    %reduce_sum3A = arith.constant dense<0.000000e+00> : vector<10240xf32>
    %reduce_sum3A_35 = vector.multi_reduction <add>, %exp3A, %reduce_sum3A [1] : vector<10240x40xf32> to vector<10240xf32>
    %broadcast_in_dim3A_36 = vector.shape_cast %reduce_sum3A_35 : vector<10240xf32> to vector<10240x1xf32>
    %log3A = math.log %broadcast_in_dim3A_36 : vector<10240x1xf32>
    %add3A_37 = arith.addf %log3A, %broadcast_in_dim3A_33 : vector<10240x1xf32>
    %sub3A_38 = vector.broadcast %add3A_37 : vector<10240x1xf32> to vector<10240x40xf32>
    %sub3A_39 = arith.subf %add3A_31, %sub3A_38 : vector<10240x40xf32>
    %slice3A = vector.extract_strided_slice %sub3A_39 {offsets = [0, 0], sizes = [10000, 40], strides = [1, 1]} : vector<10240x40xf32> to vector<10000x40xf32>
    %swap3A = arith.constant 0 : index
    %swap3A_40 = arith.constant 0 : index
    %swap3A_41 = vector.load %arg6[%swap3A, %swap3A_40] : memref<10000x40xf32, #tpu.memory_space<vmem>>, vector<10000x40xf32>
    tpu.vector_store %arg6[%swap3A, %swap3A_40], %slice3A {strides = array<i32>} : memref<10000x40xf32, #tpu.memory_space<vmem>>, vector<10000x40xf32>,
    return
  }
}

</mosaic_0001>

<sc_bundles>
// kernel: kernel.10.cloned.1.call-start
scs
__scs_entry_jumppad:
0x0: {  	(pc) =	sbr.rel $0x88, $3  }
0x1: {  	(tag) =	ssettag $0x0;
	lr =	simm.s32 $0x1  }
0x2: {  	[smem:$0x3F9B] =	sst lr;
	_ =	strace $0xD0000000  }
0x3: {  	_ = 	snop  }
0x4: {  	_ = 	snop  }
0x5: {  	_ = 	snop  }
0x6: {  	_ = 	snop  }
0x7: {  	_ = 	snop  }
__scs_overlays_trampoline_lowered:
0x8: {  	[smem:$0x3FAA] =	sst s0  }
0x9: {  	[smem:$0x3FAB] =	sst s1  }
0xa: {  	[smem:$0x3FAC] =	sst s2  }
0xb: {  	[smem:$0x3FAD] =	sst s3  }
0xc: {  	[smem:$0x3FAE] =	sst s4  }
0xd: {  	[smem:$0x3FAF] =	sst s5  }
0xe: {  	[smem:$0x3FB0] =	sst s6  }
0xf: {  	[smem:$0x3FB1] =	sst s7  }
0x10: {  	[smem:$0x3FB2] =	sst s8  }
0x11: {  	[smem:$0x3FB3] =	sst s9;
	s0 =	simm.s32 @!p0 $0x0  }
0x12: {  	s1 =	sld [smem:$0x3F99];
	s0 =	simm.s32 @p0 $0x1  }
0x13: {  	[smem:$0x3FB4] =	sst s0;
	s0 =	simm.s32 @!p1 $0x0  }
0x14: {  	s2 =	sld [smem:$0x3F98];
	s0 =	simm.s32 @p1 $0x1  }
0x15: {  	[smem:$0x3FB5] =	sst s0;
	s0 =	simm.s32 @!p2 $0x0  }
0x16: {  	s3 =	sld [smem:$0x3FDB];
	s0 =	simm.s32 @p2 $0x1  }
0x17: {  	s4 =	simm.s32 $0x1BF5;
	[smem:$0x3FB7] =	sst s0  }
0x18: {  	s0 =	sld [smem:$0x3F9A];
	_ =	swait.ge [sflag:s4], $0x0  }
0x19: {  	s7 =	sld [smem:$0x3F9B]  }
0x1a: {  	s8 =	sadd.s32 $0xFFFFE003, lr  }
0x1b: {  	s9 =	sadd.s32 $0xFFFFFEF7, lr;
	s5 =	simm.s32 $0xFFFFFFFF;
	p2 =	slt.u32 s8, $0xFFFFF086  }
0x1c: {  	p1 =	slt.u32 s9, $0xF7A;
	s5 =	simm.s32 @!p2 $0x0  }
0x1d: {  	s5 =	simm.s32 @p1 $0x1;
	p0 =	seq.s32 s7, s2  }
0x1e: {  	s7 =	smul.u32 @!p0 $0xF7A, s2;
	p2 =	seq.s32 @!p0 s5, $0x0  }
0x1f: {  	s9 =	smul.u32 $0xF7A, s1;
	s8 =	simm.s32 @!p0 $0x1BF5;
	p2 =	por !p2, p0  }
0x20: {  	[sflag:s8] =	ssyncset.s32 @!p0 $0xFFFFF086;
	s6 =	sadd.s32 @!p0 s3, s7;
	s7 =	simm.s32 @!p0 $0x108  }
0x21: {  	s3 =	sadd.s32 s3, s9;
	s6 =	sadd.s32 @!p0 $0x88, s6;
	s7 =	simm.s32 @p2 $0x1082  }
0x22: {  	[simem:s7], [sflag:s8] =	dma.local @!p0 [hbm:s6], $0xF7A  }
0x23: {  	s9 =	sor.u32 $0xD0000000, s2;
	s6 =	simm.s32 $0x108;
	_ =	swait.ge @!p0 [sflag:s8], $0x0  }
0x24: {  	s3 =	sadd.s32 $0x88, s3;
	s6 =	simm.s32 @!p1 $0x1082;
	[sflag:s4] =	ssyncset.s32 $0xFFFFF086  }
0x25: {  	[simem:s6], [sflag:s4] =	dma.local [hbm:s3], $0xF7A  }
0x26: {  	[smem:$0x3F9B] =	sst s1;
	(tag) =	ssettag s2;
	_ =	strace s9  }
0x27: {  	s1 =	sld [smem:$0x3FAB]  }
0x28: {  	s2 =	sld [smem:$0x3FAC]  }
0x29: {  	s4 =	sld [smem:$0x3FAE]  }
0x2a: {  	p0 =	seq.s32 s5, $0x0;
	s5 =	sld [smem:$0x3FAF]  }
0x2b: {  	s6 =	sld [smem:$0x3FB0]  }
0x2c: {  	s7 =	sld [smem:$0x3FB1]  }
0x2d: {  	s3 =	simm.s32 $0x108;
	s8 =	sld [smem:$0x3FB2]  }
0x2e: {  	s3 =	simm.s32 @!p0 $0x1082;
	s9 =	sld [smem:$0x3FB3]  }
0x2f: {  	lr =	sadd.s32 s0, s3;
	s0 =	sld [smem:$0x3FAA]  }
0x30: {  	s3 =	sld [smem:$0x3FAD]  }
0x31: {  	[smem:$0x3FB6] =	sst s10  }
0x32: {  	s10 =	sld [smem:$0x3FB4];
	_ =	sdelay $0x3  }
0x33: {  	p0 =	seq.s32 s10, $0x1;
	s10 =	sld [smem:$0x3FB6];
	_ =	sdelay $0x3  }
0x34: {  	[smem:$0x3FB6] =	sst s10  }
0x35: {  	s10 =	sld [smem:$0x3FB5];
	_ =	sdelay $0x3  }
0x36: {  	p1 =	seq.s32 s10, $0x1;
	s10 =	sld [smem:$0x3FB6];
	_ =	sdelay $0x3  }
0x37: {  	[smem:$0x3FB6] =	sst s10  }
0x38: {  	s10 =	sld [smem:$0x3FB7]  }
0x39: {  	_ = 	snop;
	(pc) =	sbr.ind lr, $3  }
0x3a: {  	_ = 	snop  }
0x3b: {  	_ = 	snop  }
0x3c: {  	p2 =	seq.s32 s10, $0x1;
	s10 =	sld [smem:$0x3FB6]  }
0x3d: {  	_ =	shalt  }
0x3e: {  	_ =	shalt  }
0x3f: {  	_ =	shalt  }
0x40: {  	_ =	shalt  }
0x41: {  	_ =	shalt  }
0x42: {  	_ =	shalt  }
0x43: {  	_ =	shalt  }
0x44: {  	_ =	shalt  }
0x45: {  	_ =	shalt  }
0x46: {  	_ =	shalt  }
0x47: {  	_ =	shalt  }
0x48: {  	_ =	shalt  }
0x49: {  	_ =	shalt  }
0x4a: {  	_ =	shalt  }
0x4b: {  	_ =	shalt  }
0x4c: {  	_ =	shalt  }
0x4d: {  	_ =	shalt  }
0x4e: {  	_ =	shalt  }
0x4f: {  	_ =	shalt  }
0x50: {  	_ =	shalt  }
0x51: {  	_ =	shalt  }
0x52: {  	_ =	shalt  }
0x53: {  	_ =	shalt  }
0x54: {  	_ =	shalt  }
0x55: {  	_ =	shalt  }
0x56: {  	_ =	shalt  }
0x57: {  	_ =	shalt  }
0x58: {  	_ =	shalt  }
0x59: {  	_ =	shalt  }
0x5a: {  	_ =	shalt  }
0x5b: {  	_ =	shalt  }
0x5c: {  	_ =	shalt  }
0x5d: {  	_ =	shalt  }
0x5e: {  	_ =	shalt  }
0x5f: {  	_ =	shalt  }
0x60: {  	_ =	shalt  }
0x61: {  	_ =	shalt  }
0x62: {  	_ =	shalt  }
0x63: {  	_ =	shalt  }
0x64: {  	_ =	shalt  }
0x65: {  	_ =	shalt  }
0x66: {  	_ =	shalt  }
0x67: {  	_ =	shalt  }
0x68: {  	_ =	shalt  }
0x69: {  	_ =	shalt  }
0x6a: {  	_ =	shalt  }
0x6b: {  	_ =	shalt  }
0x6c: {  	_ =	shalt  }
0x6d: {  	_ =	shalt  }
0x6e: {  	_ =	shalt  }
0x6f: {  	_ =	shalt  }
0x70: {  	_ =	shalt  }
0x71: {  	_ =	shalt  }
0x72: {  	_ =	shalt  }
0x73: {  	_ =	shalt  }
0x74: {  	_ =	shalt  }
0x75: {  	_ =	shalt  }
0x76: {  	_ =	shalt  }
0x77: {  	_ =	shalt  }
0x78: {  	_ =	shalt  }
0x79: {  	_ =	shalt  }
0x7a: {  	_ =	shalt  }
0x7b: {  	_ =	shalt  }
0x7c: {  	_ =	shalt  }
0x7d: {  	_ =	shalt  }
0x7e: {  	_ =	shalt  }
0x7f: {  	_ =	shalt  }
0x80: {  	_ =	shalt  }
0x81: {  	_ =	shalt  }
0x82: {  	_ =	shalt  }
0x83: {  	_ =	shalt  }
0x84: {  	_ =	shalt  }
0x85: {  	_ =	shalt  }
0x86: {  	_ =	shalt  }
0x87: {  	_ =	shalt  }
.Lfunc_end0:
.L_simem_size_0:
called_computation.1_lowered:
.L_overlay_start_0:
0x88: {  	s2 =	sld [smem:$0x3FD9]  }
0x89: {  	s3 =	sld [smem:$0x3FFE];
	_ =	sdelay $0x1  }
0x8a: {  	s1 =	srdreg.scid  }
0x8b: {  	s0 =	sand.u32 $0x1, s1  }
0x8c: {  	s17 =	sshll.u32 s0, $0xA;
	s2 =	sadd.s32 s3, s2  }
0x8d: {  	s2 =	sadd.s32 s2, s17  }
0x8e: {  	[smem:$0x3FC2] =	sst s2  }
0x8f: {  	_ = 	snop  }
0x90: {  	s2 =	sld [smem:$0x3FD0];
	(tm) =	ssettm $0x1  }
0x91: {  	s18 =	sld [smem:$0x3FFB];
	_ =	sdelay $0x3  }
0x92: {  	_ =	strace s18  }
0x93: {  	s3 =	sld [smem:$0x3FFC];
	_ =	sdelay $0x3  }
0x94: {  	_ =	strace s3  }
0x95: {  	s3 =	sld [smem:$0x3FFD];
	_ =	sdelay $0x3  }
0x96: {  	_ =	strace s3  }
0x97: {  	_ =	strace $0x8FFFFFFF  }
0x98: {  	s19 =	sld [smem:$0x3FDB];
	_ =	sdelay $0x1  }
0x99: {  	s4 =	simm.s32 $_scs_section_size  }
0x9a: {  	s5 =	simm.s32 $_size__tile_overlayer_lowered;
	s6 =	simm.s32 $_tile_overlayer_lowered  }
0x9b: {  	s22 =	simm.s32 $0x1BFF;
	s21 =	sshll.u32 s6, $0x1;
	s3 =	sadd.s32 s4, s19  }
0x9c: {  	s7 =	simm.s32 $0x0;
	s20 =	sshll.u32 s5, $0x1;
	s5 =	sadd.s32 s21, s3  }
0x9d: {  	[timem:s7], [sflag:s22] =	dma.local [hbm:s5], s20  }
0x9e: {  	_ =	swait.ge [sflag:s22], s20  }
0x9f: {  	s4 =	ssub.s32 $0x0, s20;
	[sflag:s22] =	ssyncset.done $0x0  }
0xa0: {  	[sflag:s22] =	ssyncadd.s32 s4;
	_ =	sdelay $0x1  }
0xa1: {  	s23 =	simm.s32 $0x1B8B  }
0xa2: {  	_ =	swait.ge [sflag:s23], $0x1  }
0xa3: {  	[sflag:s23] =	ssyncset.done $0x0  }
0xa4: {  	s25 =	simm.s32 $0x1B8E;
	s24 =	sld [smem:$0x3FFE];
	[sflag:s23] =	ssyncadd.s32 $0xFFFFFFFF  }
0xa5: {  	s26 =	simm.s32 $execute0_lowered;
	[smem:$0x3FD2] =	sst s25  }
0xa6: {  	s5 =	sshll.u32 s26, $0x1;
	_ =	strace $0x80000049;
	[dreg:$0x1] =	wrdreg $0xFFFFFFFF  }
0xa7: {  	s28 =	simm.s32 $_size_execute0_lowered;
	s3 =	sadd.s32 s3, s5;
	[dreg:$0x0] =	wrdreg $0x0  }
0xa8: {  	s5 =	sshll.u32 s28, $0x1;
	[dreg:$0x2] =	wrdreg s3  }
0xa9: {  	[dreg:$0x3] =	wrdreg s5  }
0xaa: {  	[dreg:$0x4] =	wrdreg $0xC0  }
0xab: {  	_ =	task [dreg:s7], $0x5FFFF  }
0xac: {  	[dreg:$0x1] =	wrdreg $0xFFFFFFFF  }
0xad: {  	[dreg:$0x0] =	wrdreg $0x60  }
0xae: {  	[dreg:$0x2] =	wrdreg s24  }
0xaf: {  	[dreg:$0x3] =	wrdreg s2  }
0xb0: {  	[dreg:$0x4] =	wrdreg $0x98000  }
0xb1: {  	[dreg:$0x5] =	wrdreg $0xE8000  }
0xb2: {  	[dreg:$0x6] =	wrdreg $0x9  }
0xb3: {  	_ =	task.clear_ibuf [dreg:s7], $0x7FFFF;
	_ =	strace $0x90000049  }
0xb4: {  	s29 =	simm.s32 $0x9;
	_ =	strace $0x8000004B  }
0xb5: {  	_ =	swait.ge [sflag:s29], $0x1  }
0xb6: {  	[sflag:s29] =	ssyncadd.s32 $0xFFFFFFFF  }
0xb7: {  	_ =	strace $0x9000004B  }
0xb8: {  	_ =	sfence  }
0xb9: {  	s30 =	sld [smem:$0x0];
	_ =	sdelay $0x2  }
0xba: {  	s31 =	sshll.u32 s1, $0xD;
	s1 =	sshrl.u32 s1, $0x2  }
0xbb: {  	s3 =	sand.u32 $0x4000, s31;
	s1 =	sadd.s32 s1, s30  }
0xbc: {  	s0 =	sor.u32 s3, s0;
	s1 =	sshll.u32 s1, $0x11  }
0xbd: {  	s0 =	sor.u32 s1, s0  }
0xbe: {  	s0 =	sadd.s32 $0x8F2B, s0  }
0xbf: {  	[sflag:s0] =	ssyncadd.remote.s32 $0x1  }
0xc0: {  	_ =	sfence.sel $0xFFFF  }
0xc1: {  	[dreg:$0x0] =	wrdreg $0xFFFFFFFF;
	(pc) =	sbr.abs _section_cstart, $3  }
0xc2: {  	[dreg:$0x1] =	wrdreg $0xFFFFFFFF  }
0xc3: {  	_ =	task.clear_ibuf [dreg:s7], $0x2FFFF;
	_ =	strace $0x9FFFFFFF  }
0xc4: {  	(tm) =	ssettm $0x7FFFFFFF  }
0xc5: {  	_ =	shalt  }
tec
execute0_lowered:
.L_overlay_start_1:
0x0: {  	(tag) =	ssettag $0x1  }
0x1: {  	s0 =	rddreg [dreg:$0x0]  }
0x2: {  	s1 =	rddreg [dreg:$0x1]  }
0x3: {  	s2 =	rddreg [dreg:$0x2]  }
0x4: {  	s3 =	rddreg [dreg:$0x3]  }
0x5: {  	s14 =	stileid.u32;
	s5 =	srdreg.scid  }
0x6: {  	s4 =	simm.s32 $0x0;
	s17 =	simm.s32 $0x80;
	s18 =	simm.s32 $0x5800  }
0x7: {  	s19 =	simm.s32 $0x6800;
	s28 =	simm.s32 $0x6;
	s8 =	smul.u32 $0x5000, s14  }
0x8: {  	s29 =	simm.s32 $0x7;
	s30 =	simm.s32 $0x8;
	s6 =	smul.u32 $0x48, s14  }
0x9: {  	s31 =	simm.s32 $0x0;
	s5 =	sand.u32 $0x1, s5;
	s7 =	smul.u32 $0x58, s14  }
0xa: {  	[smem:$0x7FF] =	sst s4;
	s24 =	sshll.u32 s14, $0x6;
	s14 =	simm.s32 $0x9  }
0xb: {  	p0 =	seq.s32 s5, $0x0;
	s20 =	smul.u32 $0x50000, s5;
	_ =	strace $0x8000004A  }
0xc: {  	s22 =	ssub.s32 $0x2, s5;
	s5 =	simm.s32 $0x58;
	s6 =	sadd.s32 $0x580, s6  }
0xd: {  	s9 =	sshrl.u32 s8, $0x3;
	s12 =	sshrl.u32 s22, $0x1;
	s5 =	simm.s32 @!p0 $0x48  }
0xe: {  	s13 =	sadd.s32 s8, s2;
	s15 =	sadd.s32 s8, s3;
	s6 =	smov.u32 @p0 s7  }
0xf: {  	s9 =	sadd.s32 s9, s0;
	s21 =	sadd.s32 s8, s20;
	s12 =	ssub.s32 s22, s12  }
0x10: {  	s7 =	sor.u32 $0x1C09, s24;
	s26 =	sshll.u32 s5, $0x9;
	s13 =	sshrl.u32 s13, $0x3  }
0x11: {  	s15 =	sshrl.u32 s15, $0x3;
	s20 =	simm.s32 $0x1;
	s22 =	simm.s32 $0x2  }
0x12: {  	s24 =	simm.s32 $0x3;
	s10 =	sshll.u32 s6, $0x4;
	s6 =	sshrl.u32 s21, $0x3  }
0x13: {  	s23 =	sadd.s32 $0x16800, s9;
	s25 =	sadd.s32 $0xC800, s9;
	s12 =	smax.u32 s12, $0x1  }
0x14: {  	[dreg:$0x5] =	wrdreg s26;
	s21 =	simm.s32 $0x7800;
	s26 =	simm.s32 $0x4  }
0x15: {  	s11 =	sadd.s32 s10, s0;
	s0 =	sadd.s32 s6, s0;
	[dreg:$0x6] =	wrdreg s23  }
0x16: {  	[dreg:$0x7] =	wrdreg s25;
	s10 =	sadd.s32 s1, s10;
	s23 =	simm.s32 $0x8800  }
0x17: {  	s25 =	simm.s32 $0x5;
	s9 =	sadd.s32 $0x2800, s11;
	s11 =	sadd.s32 $0x20800, s0  }
.LBB2_1:
0x18: {  	s0 =	rddreg [dreg:$0x6]  }
0x19: {  	[spmem:s13], [sflag:s7] =	dma.local [hbm:s0], $0xA00  }
0x1a: {  	_ =	swait.ge [sflag:s14], $0xA00  }
0x1b: {  	[sflag:s14] =	ssyncset.done $0x0  }
0x1c: {  	s8 =	rddreg [dreg:$0x7];
	[sflag:s14] =	ssyncadd.s32 $0xFFFFF600  }
0x1d: {  	[spmem:s15], [sflag:s7] =	dma.local [hbm:s8], $0xA00  }
0x1e: {  	_ =	swait.ge [sflag:s14], $0xA00  }
0x1f: {  	[sflag:s14] =	ssyncset.done $0x0  }
0x20: {  	[sflag:s14] =	ssyncadd.s32 $0xFFFFF600  }
0x21: {  	[tilespmem:s4], [sflag:$0x9] =	stream.linear.gather [hbm4b:s9+s4], $0x2C00, $0x38;
	[tilespmem:$0x13800] =	vst v63  }
0x22: {  	_ =	swait.ge [sflag:s14], $0x2C00  }
0x23: {  	[sflag:s14] =	ssyncset.done $0x0  }
0x24: {  	s16 =	simm.s32 $0x2C00;
	[sflag:s14] =	ssyncadd.s32 $0xFFFFD400  }
0x25: {  	[tilespmem:s16], [sflag:$0x9] =	stream.linear.gather [hbm4b:s10+s4], $0x2C00, $0x38;
	[tilespmem:$0x13800] =	vst v63  }
0x26: {  	_ =	swait.ge [sflag:s14], $0x2C00  }
0x27: {  	[sflag:s14] =	ssyncset.done $0x0  }
0x28: {  	[sflag:s14] =	ssyncadd.s32 $0xFFFFD400  }
0x29: {  	[bflag:$0x0] =	sbarrier.arrive $0xFFFF  }
0x2a: {  	[tilespmem:s18], [sflag:$0x1] =	stream.indirect.gather [spmem:s3], $0x20, s4, s17, $0xb8;
	[tilespmem:$0x13800] =	vst v63  }
0x2b: {  	s1 =	simm.s32 $0x0;
	s0 =	simm.s32 $0x5  }
0x2c: {  	[tilespmem:s19], [sflag:$0x2] =	stream.indirect.gather [spmem:s3], $0x20, s17, s17, $0xb8;
	[tilespmem:$0x13800] =	vst v63  }
.LBB2_2:
0x2d: {  	_ =	swait.ge [sflag:s20], $0x1000  }
0x2e: {  	s16 =	sshra.s32 s1, $0x2;
	[sflag:s20] =	ssyncset.done $0x0  }
0x2f: {  	p0 =	seq.s32 s1, $0x0;
	s6 =	sadd.s32 $0x2C00, s16;
	[sflag:s20] =	ssyncadd.s32 $0xFFFFF000  }
0x30: {  	[spmem:s2] =	stream.indirect.scatter.add.f32 [tilespmem:s18], [sflag:$0x5], $0x20, s6, s17, $0xb8;
	[tilespmem:$0x13800] =	vst v63  }
0x31: {  	s6 =	simm.s32 @!p0 $0x7  }
0x32: {  	s8 =	sadd.s32 $0xFFFFFFFD, s0;
	_ =	swait.ge @!p0 [sflag:s6], $0x1000  }
0x33: {  	(drf) =	srem.u32 s8, s5;
	_ =	sdelay $0x8  }
0x34: {  	[sflag:s6] =	ssyncset.done @!p0 $0x0;
	s8 =	spop (drf)  }
0x35: {  	[sflag:s6] =	ssyncadd.s32 @!p0 $0xFFFFF000;
	s8 =	sshll.u32 s8, $0x7  }
0x36: {  	[tilespmem:s21], [sflag:$0x3] =	stream.indirect.gather [spmem:s3], $0x20, s8, s17, $0xb8;
	[tilespmem:$0x13800] =	vst v63  }
0x37: {  	_ =	swait.ge [sflag:s22], $0x1000  }
0x38: {  	[sflag:s22] =	ssyncset.done $0x0  }
0x39: {  	s6 =	simm.s32 @!p0 $0x8;
	s8 =	sadd.s32 $0x2C80, s16;
	[sflag:s22] =	ssyncadd.s32 $0xFFFFF000  }
0x3a: {  	[spmem:s2] =	stream.indirect.scatter.add.f32 [tilespmem:s19], [sflag:$0x6], $0x20, s8, s17, $0xb8;
	[tilespmem:$0x13800] =	vst v63  }
0x3b: {  	s8 =	sadd.s32 $0xFFFFFFFE, s0;
	_ =	swait.ge @!p0 [sflag:s6], $0x1000  }
0x3c: {  	(drf) =	srem.u32 s8, s5;
	_ =	sdelay $0x8  }
0x3d: {  	[sflag:s6] =	ssyncset.done @!p0 $0x0;
	s8 =	spop (drf)  }
0x3e: {  	[sflag:s6] =	ssyncadd.s32 @!p0 $0xFFFFF000;
	s8 =	sshll.u32 s8, $0x7  }
0x3f: {  	[tilespmem:s23], [sflag:$0x4] =	stream.indirect.gather [spmem:s3], $0x20, s8, s17, $0xb8;
	[tilespmem:$0x13800] =	vst v63  }
0x40: {  	_ =	swait.ge [sflag:s24], $0x1000  }
0x41: {  	[sflag:s24] =	ssyncset.done $0x0  }
0x42: {  	s8 =	sadd.s32 $0x2D00, s16;
	[sflag:s24] =	ssyncadd.s32 $0xFFFFF000  }
0x43: {  	[spmem:s2] =	stream.indirect.scatter.add.f32 [tilespmem:s21], [sflag:$0x7], $0x20, s8, s17, $0xb8;
	[tilespmem:$0x13800] =	vst v63  }
0x44: {  	s8 =	sadd.s32 $0xFFFFFFFF, s0;
	_ =	swait.ge [sflag:s25], $0x1000  }
0x45: {  	(drf) =	srem.u32 s8, s5;
	_ =	sdelay $0x8  }
0x46: {  	[sflag:s25] =	ssyncset.done $0x0;
	s6 =	spop (drf)  }
0x47: {  	[sflag:s25] =	ssyncadd.s32 $0xFFFFF000;
	s6 =	sshll.u32 s6, $0x7  }
0x48: {  	[tilespmem:s18], [sflag:$0x1] =	stream.indirect.gather [spmem:s3], $0x20, s6, s17, $0xb8;
	[tilespmem:$0x13800] =	vst v63  }
0x49: {  	_ =	swait.ge [sflag:s26], $0x1000  }
0x4a: {  	[sflag:s26] =	ssyncset.done $0x0  }
0x4b: {  	s16 =	sadd.s32 $0x2D80, s16;
	[sflag:s26] =	ssyncadd.s32 $0xFFFFF000  }
0x4c: {  	[spmem:s2] =	stream.indirect.scatter.add.f32 [tilespmem:s23], [sflag:$0x8], $0x20, s16, s17, $0xb8;
	[tilespmem:$0x13800] =	vst v63  }
0x4d: {  	_ =	swait.ge [sflag:s28], $0x1000  }
0x4e: {  	(drf) =	srem.u32 s0, s5;
	_ =	sdelay $0x4  }
0x4f: {  	s1 =	sadd.s32 $0x800, s1;
	s16 =	rddreg [dreg:$0x5]  }
0x50: {  	p0 =	sne.s32 s16, s1  }
.Ltmp0:
0x51: {  	_ = 	snop;
	(pc) =	sbr.rel @p0 .LBB2_2-.Ltmp0, $4  }
0x52: {  	_ = 	snop  }
0x53: {  	[sflag:s28] =	ssyncset.done $0x0;
	s8 =	spop (drf)  }
0x54: {  	s0 =	sadd.s32 $0x4, s0;
	[sflag:s28] =	ssyncadd.s32 $0xFFFFF000;
	s6 =	sshll.u32 s8, $0x7  }
0x55: {  	[tilespmem:s19], [sflag:$0x2] =	stream.indirect.gather [spmem:s3], $0x20, s6, s17, $0xb8;
	[tilespmem:$0x13800] =	vst v63  }
0x56: {  	_ =	swait.ge [sflag:s20], $0x1000  }
0x57: {  	[sflag:s20] =	ssyncset.done $0x0  }
0x58: {  	[sflag:s20] =	ssyncadd.s32 $0xFFFFF000  }
0x59: {  	_ =	swait.ge [sflag:s22], $0x1000  }
0x5a: {  	[sflag:s22] =	ssyncset.done $0x0  }
0x5b: {  	[sflag:s22] =	ssyncadd.s32 $0xFFFFF000  }
0x5c: {  	_ =	swait.ge [sflag:s29], $0x1000  }
0x5d: {  	[sflag:s29] =	ssyncset.done $0x0  }
0x5e: {  	[sflag:s29] =	ssyncadd.s32 $0xFFFFF000  }
0x5f: {  	_ =	swait.ge [sflag:s30], $0x1000  }
0x60: {  	s31 =	sadd.s32 $0x1, s31;
	[sflag:s30] =	ssyncset.done $0x0  }
0x61: {  	p0 =	sne.s32 s31, s12;
	[sflag:s30] =	ssyncadd.s32 $0xFFFFF000  }
.Ltmp1:
0x62: {  	[bflag:$0x0] =	sbarrier.arrive $0xFFFF;
	(pc) =	sbr.rel @p0 .LBB2_1-.Ltmp1, $4  }
0x63: {  	[hbm:s11], [sflag:s7] =	dma.local [spmem:s13], $0xA00  }
0x64: {  	_ =	swait.ge [sflag:s14], $0xA00  }
0x65: {  	[sflag:s14] =	ssyncset.done $0x0  }
0x66: {  	[sflag:s14] =	ssyncadd.s32 $0xFFFFF600  }
0x67: {  	_ =	sfence.sel $0x180000  }
0x68: {  	[bflag:$0x0] =	sbarrier.arrive $0xFFFF  }
0x69: {  	_ =	strace $0x9000004A  }
0x6a: {  	s0 =	stileid.u32;
	[bflag:$0x2] =	sbarrier.arrive $0xFFFF  }
0x6b: {  	p0 =	sne.s32 s0, $0x0;
	s0 =	rddreg [dreg:$0x4]  }
0x6c: {  	s0 =	sadd.s32 @!p0 $0x100000, s0  }
0x6d: {  	[sflag:s0] =	ssyncadd.tile.s32 @!p0 $0x1;
	_ =	shalt  }
.Lfunc_end2:
_tile_overlayer_lowered:
.L_overlay_start_2:
0x6e: {  	(tag) =	ssettag $0x2  }
0x6f: {  	s0 =	rddreg [dreg:$0x0];
	s2 =	stileid.u32  }
0x70: {  	s1 =	rddreg [dreg:$0x1];
	p0 =	sne.s32 s2, $0x0  }
0x71: {  	s3 =	rddreg [dreg:$0x2];
	[bflag:$0x3] =	sbarrier.arrive $0xFFFF;
	s2 =	simm.s32 @!p0 $0x1C09  }
0x72: {  	[timem:s3], [sflag:s2] =	dma.local @!p0 [hbm:s0], s1  }
0x73: {  	s0 =	simm.s32 @!p0 $0x9  }
0x74: {  	_ =	swait.ge @!p0 [sflag:s0], s1  }
0x75: {  	s1 =	ssub.s32 @!p0 $0x0, s1;
	[sflag:s0] =	ssyncset.done @!p0 $0x0  }
0x76: {  	[sflag:s0] =	ssyncadd.s32 @!p0 s1  }
0x77: {  	[bflag:$0x3] =	sbarrier.arrive $0xFFFF  }
0x78: {  	_ =	shalt  }

// kernel: kernel.7.cloned.1.call-start
scs
__scs_entry_jumppad:
0x0: {  	(pc) =	sbr.rel $0x88, $3  }
0x1: {  	(tag) =	ssettag $0x0;
	lr =	simm.s32 $0x1  }
0x2: {  	[smem:$0x3F9B] =	sst lr;
	_ =	strace $0xD0000000  }
0x3: {  	_ = 	snop  }
0x4: {  	_ = 	snop  }
0x5: {  	_ = 	snop  }
0x6: {  	_ = 	snop  }
0x7: {  	_ = 	snop  }
__scs_overlays_trampoline_lowered:
0x8: {  	[smem:$0x3FAA] =	sst s0  }
0x9: {  	[smem:$0x3FAB] =	sst s1  }
0xa: {  	[smem:$0x3FAC] =	sst s2  }
0xb: {  	[smem:$0x3FAD] =	sst s3  }
0xc: {  	[smem:$0x3FAE] =	sst s4  }
0xd: {  	[smem:$0x3FAF] =	sst s5  }
0xe: {  	[smem:$0x3FB0] =	sst s6  }
0xf: {  	[smem:$0x3FB1] =	sst s7  }
0x10: {  	[smem:$0x3FB2] =	sst s8  }
0x11: {  	[smem:$0x3FB3] =	sst s9;
	s0 =	simm.s32 @!p0 $0x0  }
0x12: {  	s1 =	sld [smem:$0x3F99];
	s0 =	simm.s32 @p0 $0x1  }
0x13: {  	[smem:$0x3FB4] =	sst s0;
	s0 =	simm.s32 @!p1 $0x0  }
0x14: {  	s2 =	sld [smem:$0x3F98];
	s0 =	simm.s32 @p1 $0x1  }
0x15: {  	[smem:$0x3FB5] =	sst s0;
	s0 =	simm.s32 @!p2 $0x0  }
0x16: {  	s3 =	sld [smem:$0x3FDB];
	s0 =	simm.s32 @p2 $0x1  }
0x17: {  	s4 =	simm.s32 $0x1BF5;
	[smem:$0x3FB7] =	sst s0  }
0x18: {  	s0 =	sld [smem:$0x3F9A];
	_ =	swait.ge [sflag:s4], $0x0  }
0x19: {  	s7 =	sld [smem:$0x3F9B]  }
0x1a: {  	s8 =	sadd.s32 $0xFFFFE003, lr  }
0x1b: {  	s9 =	sadd.s32 $0xFFFFFEF7, lr;
	s5 =	simm.s32 $0xFFFFFFFF;
	p2 =	slt.u32 s8, $0xFFFFF086  }
0x1c: {  	p1 =	slt.u32 s9, $0xF7A;
	s5 =	simm.s32 @!p2 $0x0  }
0x1d: {  	s5 =	simm.s32 @p1 $0x1;
	p0 =	seq.s32 s7, s2  }
0x1e: {  	s7 =	smul.u32 @!p0 $0xF7A, s2;
	p2 =	seq.s32 @!p0 s5, $0x0  }
0x1f: {  	s9 =	smul.u32 $0xF7A, s1;
	s8 =	simm.s32 @!p0 $0x1BF5;
	p2 =	por !p2, p0  }
0x20: {  	[sflag:s8] =	ssyncset.s32 @!p0 $0xFFFFF086;
	s6 =	sadd.s32 @!p0 s3, s7;
	s7 =	simm.s32 @!p0 $0x108  }
0x21: {  	s3 =	sadd.s32 s3, s9;
	s6 =	sadd.s32 @!p0 $0x88, s6;
	s7 =	simm.s32 @p2 $0x1082  }
0x22: {  	[simem:s7], [sflag:s8] =	dma.local @!p0 [hbm:s6], $0xF7A  }
0x23: {  	s9 =	sor.u32 $0xD0000000, s2;
	s6 =	simm.s32 $0x108;
	_ =	swait.ge @!p0 [sflag:s8], $0x0  }
0x24: {  	s3 =	sadd.s32 $0x88, s3;
	s6 =	simm.s32 @!p1 $0x1082;
	[sflag:s4] =	ssyncset.s32 $0xFFFFF086  }
0x25: {  	[simem:s6], [sflag:s4] =	dma.local [hbm:s3], $0xF7A  }
0x26: {  	[smem:$0x3F9B] =	sst s1;
	(tag) =	ssettag s2;
	_ =	strace s9  }
0x27: {  	s1 =	sld [smem:$0x3FAB]  }
0x28: {  	s2 =	sld [smem:$0x3FAC]  }
0x29: {  	s4 =	sld [smem:$0x3FAE]  }
0x2a: {  	p0 =	seq.s32 s5, $0x0;
	s5 =	sld [smem:$0x3FAF]  }
0x2b: {  	s6 =	sld [smem:$0x3FB0]  }
0x2c: {  	s7 =	sld [smem:$0x3FB1]  }
0x2d: {  	s3 =	simm.s32 $0x108;
	s8 =	sld [smem:$0x3FB2]  }
0x2e: {  	s3 =	simm.s32 @!p0 $0x1082;
	s9 =	sld [smem:$0x3FB3]  }
0x2f: {  	lr =	sadd.s32 s0, s3;
	s0 =	sld [smem:$0x3FAA]  }
0x30: {  	s3 =	sld [smem:$0x3FAD]  }
0x31: {  	[smem:$0x3FB6] =	sst s10  }
0x32: {  	s10 =	sld [smem:$0x3FB4];
	_ =	sdelay $0x3  }
0x33: {  	p0 =	seq.s32 s10, $0x1;
	s10 =	sld [smem:$0x3FB6];
	_ =	sdelay $0x3  }
0x34: {  	[smem:$0x3FB6] =	sst s10  }
0x35: {  	s10 =	sld [smem:$0x3FB5];
	_ =	sdelay $0x3  }
0x36: {  	p1 =	seq.s32 s10, $0x1;
	s10 =	sld [smem:$0x3FB6];
	_ =	sdelay $0x3  }
0x37: {  	[smem:$0x3FB6] =	sst s10  }
0x38: {  	s10 =	sld [smem:$0x3FB7]  }
0x39: {  	_ = 	snop;
	(pc) =	sbr.ind lr, $3  }
0x3a: {  	_ = 	snop  }
0x3b: {  	_ = 	snop  }
0x3c: {  	p2 =	seq.s32 s10, $0x1;
	s10 =	sld [smem:$0x3FB6]  }
0x3d: {  	_ =	shalt  }
0x3e: {  	_ =	shalt  }
0x3f: {  	_ =	shalt  }
0x40: {  	_ =	shalt  }
0x41: {  	_ =	shalt  }
0x42: {  	_ =	shalt  }
0x43: {  	_ =	shalt  }
0x44: {  	_ =	shalt  }
0x45: {  	_ =	shalt  }
0x46: {  	_ =	shalt  }
0x47: {  	_ =	shalt  }
0x48: {  	_ =	shalt  }
0x49: {  	_ =	shalt  }
0x4a: {  	_ =	shalt  }
0x4b: {  	_ =	shalt  }
0x4c: {  	_ =	shalt  }
0x4d: {  	_ =	shalt  }
0x4e: {  	_ =	shalt  }
0x4f: {  	_ =	shalt  }
0x50: {  	_ =	shalt  }
0x51: {  	_ =	shalt  }
0x52: {  	_ =	shalt  }
0x53: {  	_ =	shalt  }
0x54: {  	_ =	shalt  }
0x55: {  	_ =	shalt  }
0x56: {  	_ =	shalt  }
0x57: {  	_ =	shalt  }
0x58: {  	_ =	shalt  }
0x59: {  	_ =	shalt  }
0x5a: {  	_ =	shalt  }
0x5b: {  	_ =	shalt  }
0x5c: {  	_ =	shalt  }
0x5d: {  	_ =	shalt  }
0x5e: {  	_ =	shalt  }
0x5f: {  	_ =	shalt  }
0x60: {  	_ =	shalt  }
0x61: {  	_ =	shalt  }
0x62: {  	_ =	shalt  }
0x63: {  	_ =	shalt  }
0x64: {  	_ =	shalt  }
0x65: {  	_ =	shalt  }
0x66: {  	_ =	shalt  }
0x67: {  	_ =	shalt  }
0x68: {  	_ =	shalt  }
0x69: {  	_ =	shalt  }
0x6a: {  	_ =	shalt  }
0x6b: {  	_ =	shalt  }
0x6c: {  	_ =	shalt  }
0x6d: {  	_ =	shalt  }
0x6e: {  	_ =	shalt  }
0x6f: {  	_ =	shalt  }
0x70: {  	_ =	shalt  }
0x71: {  	_ =	shalt  }
0x72: {  	_ =	shalt  }
0x73: {  	_ =	shalt  }
0x74: {  	_ =	shalt  }
0x75: {  	_ =	shalt  }
0x76: {  	_ =	shalt  }
0x77: {  	_ =	shalt  }
0x78: {  	_ =	shalt  }
0x79: {  	_ =	shalt  }
0x7a: {  	_ =	shalt  }
0x7b: {  	_ =	shalt  }
0x7c: {  	_ =	shalt  }
0x7d: {  	_ =	shalt  }
0x7e: {  	_ =	shalt  }
0x7f: {  	_ =	shalt  }
0x80: {  	_ =	shalt  }
0x81: {  	_ =	shalt  }
0x82: {  	_ =	shalt  }
0x83: {  	_ =	shalt  }
0x84: {  	_ =	shalt  }
0x85: {  	_ =	shalt  }
0x86: {  	_ =	shalt  }
0x87: {  	_ =	shalt  }
.Lfunc_end0:
.L_simem_size_0:
called_computation_lowered:
.L_overlay_start_0:
0x88: {  	s2 =	sld [smem:$0x3FD9]  }
0x89: {  	s3 =	sld [smem:$0x3FFE];
	_ =	sdelay $0x1  }
0x8a: {  	s1 =	srdreg.scid  }
0x8b: {  	s0 =	sand.u32 $0x1, s1  }
0x8c: {  	s17 =	sshll.u32 s0, $0xA;
	s2 =	sadd.s32 s3, s2  }
0x8d: {  	s2 =	sadd.s32 s2, s17  }
0x8e: {  	[smem:$0x3FC2] =	sst s2  }
0x8f: {  	_ = 	snop  }
0x90: {  	s2 =	sld [smem:$0x3FD0];
	(tm) =	ssettm $0x1  }
0x91: {  	s18 =	sld [smem:$0x3FFB];
	_ =	sdelay $0x3  }
0x92: {  	_ =	strace s18  }
0x93: {  	s3 =	sld [smem:$0x3FFC];
	_ =	sdelay $0x3  }
0x94: {  	_ =	strace s3  }
0x95: {  	s3 =	sld [smem:$0x3FFD];
	_ =	sdelay $0x3  }
0x96: {  	_ =	strace s3  }
0x97: {  	_ =	strace $0x8FFFFFFF  }
0x98: {  	s19 =	sld [smem:$0x3FDB];
	_ =	sdelay $0x1  }
0x99: {  	s4 =	simm.s32 $_scs_section_size  }
0x9a: {  	s5 =	simm.s32 $_size__tile_overlayer_lowered;
	s6 =	simm.s32 $_tile_overlayer_lowered  }
0x9b: {  	s22 =	simm.s32 $0x1BFF;
	s21 =	sshll.u32 s6, $0x1;
	s3 =	sadd.s32 s4, s19  }
0x9c: {  	s7 =	simm.s32 $0x0;
	s20 =	sshll.u32 s5, $0x1;
	s5 =	sadd.s32 s21, s3  }
0x9d: {  	[timem:s7], [sflag:s22] =	dma.local [hbm:s5], s20  }
0x9e: {  	_ =	swait.ge [sflag:s22], s20  }
0x9f: {  	s4 =	ssub.s32 $0x0, s20;
	[sflag:s22] =	ssyncset.done $0x0  }
0xa0: {  	[sflag:s22] =	ssyncadd.s32 s4;
	_ =	sdelay $0x1  }
0xa1: {  	s23 =	simm.s32 $0x1B8B  }
0xa2: {  	_ =	swait.ge [sflag:s23], $0x1  }
0xa3: {  	[sflag:s23] =	ssyncset.done $0x0  }
0xa4: {  	s25 =	simm.s32 $0x1B8E;
	s24 =	sld [smem:$0x3FFE];
	[sflag:s23] =	ssyncadd.s32 $0xFFFFFFFF  }
0xa5: {  	s26 =	simm.s32 $execute0_lowered;
	[smem:$0x3FD2] =	sst s25  }
0xa6: {  	s5 =	sshll.u32 s26, $0x1;
	_ =	strace $0x80000046;
	[dreg:$0x1] =	wrdreg $0xFFFFFFFF  }
0xa7: {  	s28 =	simm.s32 $_size_execute0_lowered;
	s3 =	sadd.s32 s3, s5;
	[dreg:$0x0] =	wrdreg $0x0  }
0xa8: {  	s5 =	sshll.u32 s28, $0x1;
	[dreg:$0x2] =	wrdreg s3  }
0xa9: {  	[dreg:$0x3] =	wrdreg s5  }
0xaa: {  	[dreg:$0x4] =	wrdreg $0xC0  }
0xab: {  	_ =	task [dreg:s7], $0x5FFFF  }
0xac: {  	[dreg:$0x1] =	wrdreg $0xFFFFFFFF  }
0xad: {  	[dreg:$0x0] =	wrdreg $0x60  }
0xae: {  	[dreg:$0x2] =	wrdreg s2  }
0xaf: {  	[dreg:$0x3] =	wrdreg s24  }
0xb0: {  	[dreg:$0x4] =	wrdreg $0x58000  }
0xb1: {  	[dreg:$0x5] =	wrdreg $0x9  }
0xb2: {  	_ =	task.clear_ibuf [dreg:s7], $0x6FFFF;
	_ =	strace $0x90000046  }
0xb3: {  	s29 =	simm.s32 $0x9;
	_ =	strace $0x80000048  }
0xb4: {  	_ =	swait.ge [sflag:s29], $0x1  }
0xb5: {  	[sflag:s29] =	ssyncadd.s32 $0xFFFFFFFF  }
0xb6: {  	_ =	strace $0x90000048  }
0xb7: {  	_ =	sfence  }
0xb8: {  	s30 =	sld [smem:$0x0];
	_ =	sdelay $0x2  }
0xb9: {  	s31 =	sshll.u32 s1, $0xD;
	s1 =	sshrl.u32 s1, $0x2  }
0xba: {  	s3 =	sand.u32 $0x4000, s31;
	s1 =	sadd.s32 s1, s30  }
0xbb: {  	s0 =	sor.u32 s3, s0;
	s1 =	sshll.u32 s1, $0x11  }
0xbc: {  	s0 =	sor.u32 s1, s0  }
0xbd: {  	s0 =	sadd.s32 $0x8F2B, s0  }
0xbe: {  	[sflag:s0] =	ssyncadd.remote.s32 $0x1  }
0xbf: {  	_ =	sfence.sel $0xFFFF  }
0xc0: {  	[dreg:$0x0] =	wrdreg $0xFFFFFFFF;
	(pc) =	sbr.abs _section_cstart, $3  }
0xc1: {  	[dreg:$0x1] =	wrdreg $0xFFFFFFFF  }
0xc2: {  	_ =	task.clear_ibuf [dreg:s7], $0x2FFFF;
	_ =	strace $0x9FFFFFFF  }
0xc3: {  	(tm) =	ssettm $0x7FFFFFFF  }
tec
execute0_lowered:
.L_overlay_start_1:
0x0: {  	(tag) =	ssettag $0x1  }
0x1: {  	s8 =	rddreg [dreg:$0x0]  }
0x2: {  	s5 =	rddreg [dreg:$0x1]  }
0x3: {  	s2 =	rddreg [dreg:$0x2]  }
0x4: {  	s0 =	rddreg [dreg:$0x3];
	s1 =	stileid.u32  }
0x5: {  	s4 =	srdreg.scid;
	s3 =	simm.s32 $0x0;
	s14 =	simm.s32 $0x1  }
0x6: {  	s15 =	simm.s32 $0x0;
	s6 =	smul.u32 $0x280, s1;
	s7 =	sand.u32 $0x1, s4  }
0x7: {  	[smem:$0x7FF] =	sst s3;
	s4 =	sadd.s32 $0x1800, s5;
	s13 =	smul.u32 $0x48, s1  }
0x8: {  	s30 =	sshll.u32 s1, $0x6;
	s9 =	smul.u32 $0x2800, s7;
	_ =	strace $0x80000047  }
0x9: {  	s11 =	ssub.s32 $0x2, s7;
	p0 =	seq.s32 s7, $0x0;
	s10 =	sshrl.u32 s6, $0x3  }
0xa: {  	s12 =	sshrl.u32 s11, $0x1;
	s7 =	sadd.s32 $0x580, s13;
	s29 =	sadd.s32 s6, s2  }
0xb: {  	s13 =	simm.s32 $0x80;
	s10 =	sadd.s32 s10, s5;
	s9 =	sadd.s32 s6, s9  }
0xc: {  	s11 =	ssub.s32 s11, s12;
	s12 =	smul.u32 $0x58, s1;
	s9 =	sshrl.u32 s9, $0x3  }
0xd: {  	s6 =	sadd.s32 $0x1200, s10;
	s10 =	smax.u32 s11, $0x1;
	s11 =	sshrl.u32 s29, $0x3  }
0xe: {  	s9 =	sadd.s32 s9, s5;
	s5 =	simm.s32 $0x58;
	s7 =	smov.u32 @p0 s12  }
0xf: {  	s12 =	simm.s32 $0x2;
	s5 =	simm.s32 @!p0 $0x48;
	s31 =	sshll.u32 s7, $0x4  }
0x10: {  	s7 =	sor.u32 $0x1C02, s30;
	s9 =	sadd.s32 $0x1E00, s9;
	s8 =	sadd.s32 s8, s31  }
.LBB2_1:
0x11: {  	[spmem:s11], [sflag:s7] =	dma.local [hbm:s6], $0x50  }
0x12: {  	_ =	swait.ge [sflag:s12], $0x50  }
0x13: {  	[sflag:s12] =	ssyncset.done $0x0  }
0x14: {  	[sflag:s12] =	ssyncadd.s32 $0xFFFFFFB0  }
0x15: {  	[tilespmem:s3], [sflag:$0x2] =	stream.linear.gather [hbm4b:s8+s3], $0x2C00, $0x38;
	[tilespmem:$0x5A80] =	vst v63  }
0x16: {  	_ =	swait.ge [sflag:s12], $0x2C00  }
0x17: {  	[sflag:s12] =	ssyncset.done $0x0  }
0x18: {  	s16 =	simm.s32 $0x2C00;
	p0 =	sne.s32 s5, $0x1;
	[sflag:s12] =	ssyncadd.s32 $0xFFFFD400  }
0x19: {  	[tilespmem:s16], [sflag:$0x2] =	stream.linear.gather [hbm4b:s4+s3], $0x2C00, $0x38;
	[tilespmem:$0x5A80] =	vst v63  }
.Ltmp0:
0x1a: {  	_ =	swait.ge [sflag:s12], $0x2C00;
	(pc) =	sbr.rel @!p0 .LBB2_3-.Ltmp0, $4  }
0x1b: {  	[sflag:s12] =	ssyncset.done $0x0  }
0x1c: {  	[sflag:s12] =	ssyncadd.s32 $0xFFFFD400  }
0x1d: {  	s17 =	sadd.s32 $0xFFFFFFFF, s5;
	s18 =	simm.s32 $0x0;
	[bflag:$0x0] =	sbarrier.arrive $0xFFFF  }
0x1e: {  	[spmem:s2] =	stream.indirect.scatter.add.f32 [tilespmem:s16], [sflag:$0x1], $0x1, s3, s13, $0xb8;
	[tilespmem:$0x5A80] =	vst v63  }
.LBB2_2:
0x1f: {  	p1 =	sne.s32 s17, $0x1  }
.Ltmp1:
0x20: {  	_ = 	snop;
	(pc) =	sbr.rel @p1 .LBB2_2-.Ltmp1, $4  }
0x21: {  	_ = 	snop  }
0x22: {  	s16 =	sadd.s32 $0x80, s16;
	s18 =	sadd.s32 $0x80, s18  }
0x23: {  	s17 =	sadd.s32 $0xFFFFFFFF, s17  }
0x24: {  	[spmem:s2] =	stream.indirect.scatter.add.f32 [tilespmem:s16], [sflag:$0x1], $0x1, s18, s13, $0xb8;
	[tilespmem:$0x5A80] =	vst v63  }
.LBB2_3:
.Ltmp2:
0x25: {  	(pc) =	sbr.rel @!p0 .LBB2_5-.Ltmp2, $3  }
0x26: {  	_ =	sdelay $0x1  }
0x27: {  	_ =	swait.ge [sflag:s14], $0x80  }
0x28: {  	s16 =	sadd.s32 $0xFFFFFFFF, s5;
	[sflag:s14] =	ssyncset.done $0x0  }
.LBB2_4:
0x29: {  	p0 =	sne.s32 s16, $0x1;
	s16 =	sadd.s32 $0xFFFFFFFF, s16;
	[sflag:s14] =	ssyncadd.s32 $0xFFFFFF80  }
.Ltmp3:
0x2a: {  	(pc) =	sbr.rel @p0 .LBB2_4-.Ltmp3, $3  }
0x2b: {  	_ =	sdelay $0x1  }
0x2c: {  	_ =	swait.ge [sflag:s14], $0x80  }
0x2d: {  	[sflag:s14] =	ssyncset.done $0x0  }
.LBB2_5:
0x2e: {  	s15 =	sadd.s32 $0x1, s15  }
0x2f: {  	[sflag:s14] =	ssyncadd.s32 $0xFFFFFF80;
	p0 =	sne.s32 s15, s10  }
.Ltmp4:
0x30: {  	[bflag:$0x0] =	sbarrier.arrive $0xFFFF;
	(pc) =	sbr.rel @p0 .LBB2_1-.Ltmp4, $4  }
0x31: {  	[hbm:s9], [sflag:s7] =	dma.local [spmem:s11], $0x50  }
0x32: {  	_ =	swait.ge [sflag:s12], $0x50  }
0x33: {  	[sflag:s12] =	ssyncset.done $0x0  }
0x34: {  	[sflag:s12] =	ssyncadd.s32 $0xFFFFFFB0  }
0x35: {  	_ =	sfence.sel $0x180000  }
0x36: {  	[bflag:$0x0] =	sbarrier.arrive $0xFFFF  }
0x37: {  	p0 =	sne.s32 s1, $0x0;
	_ =	strace $0x90000047  }
0x38: {  	s0 =	sadd.s32 @!p0 $0x100000, s0;
	[bflag:$0x2] =	sbarrier.arrive $0xFFFF  }
0x39: {  	[sflag:s0] =	ssyncadd.tile.s32 @!p0 $0x1;
	_ =	shalt  }
.Lfunc_end2:
_tile_overlayer_lowered:
.L_overlay_start_2:
0x3a: {  	(tag) =	ssettag $0x2  }
0x3b: {  	s0 =	rddreg [dreg:$0x0];
	s2 =	stileid.u32  }
0x3c: {  	s1 =	rddreg [dreg:$0x1];
	p0 =	sne.s32 s2, $0x0  }
0x3d: {  	s3 =	rddreg [dreg:$0x2];
	[bflag:$0x3] =	sbarrier.arrive $0xFFFF;
	s2 =	simm.s32 @!p0 $0x1C02  }
0x3e: {  	[timem:s3], [sflag:s2] =	dma.local @!p0 [hbm:s0], s1  }
0x3f: {  	s0 =	simm.s32 @!p0 $0x2  }
0x40: {  	_ =	swait.ge @!p0 [sflag:s0], s1  }
0x41: {  	s1 =	ssub.s32 @!p0 $0x0, s1;
	[sflag:s0] =	ssyncset.done @!p0 $0x0  }
0x42: {  	[sflag:s0] =	ssyncadd.s32 @!p0 s1  }
0x43: {  	[bflag:$0x3] =	sbarrier.arrive $0xFFFF  }
0x44: {  	_ =	shalt  }

</sc_bundles>
